<compile_context>
chip_gen: v7x
topology: tpu7x:2x2x1
jax: 0.10.2.dev20260603
libtpu: 0.0.44.dev20260713+nightly
codegen_flags: <defaults>
</compile_context>

<pallas_src>
import functools

import jax
import jax.numpy as jnp
from jax import lax
from jax.experimental import pallas as pl
from jax.experimental.pallas import tpu as pltpu
from jax.experimental.pallas import tpu_sc as plsc

N = 10000
E = 320000
D = 128
R = 4
NW = 32
P = R // 2
ETILES = E // 128
WTILES = ETILES // NW + 1
WEDGE = WTILES * 128

_mesh = plsc.VectorSubcoreMesh(core_axis_name="c", subcore_axis_name="s")


@functools.partial(
    pl.kernel,
    out_type=jax.ShapeDtypeStruct((NW * P, N), jnp.int32),
    mesh=_mesh,
    compiler_params=pltpu.CompilerParams(needs_layout_passes=False),
    scratch_types=[
        pltpu.VMEM((P, N), jnp.int32),
        pltpu.VMEM((2, WEDGE), jnp.int32),
        pltpu.VMEM((WEDGE,), jnp.int32),
        pltpu.SemaphoreType.DMA,
        pltpu.SemaphoreType.DMA,
    ],
)
def _sc_histogram(ei_hbm, et_hbm, out_hbm, hist_v, ei_v, et_v, sem1, sem2):
    wid = lax.axis_index("s") * 2 + lax.axis_index("c")
    t0 = (wid * ETILES) // NW
    t1 = ((wid + 1) * ETILES) // NW
    start = t0
    n_it = t1 - t0

    cp1 = pltpu.async_copy(
        ei_hbm.at[:, pl.ds(start * 128, WEDGE)], ei_v, sem1)
    cp2 = pltpu.async_copy(
        et_hbm.at[pl.ds(start * 128, WEDGE)], et_v, sem2)

    zeros = jnp.zeros((16,), jnp.int32)

    @plsc.parallel_loop(0, N, step=16 * 25)
    def zero_body(base):
        for j in range(25):
            off = base + j * 16
            hist_v[0, pl.ds(off, 16)] = zeros
            hist_v[1, pl.ds(off, 16)] = zeros

    one = jnp.ones((16,), jnp.int32)
    hi_one = jnp.full((16,), 1 << 16, jnp.int32)
    two = jnp.full((16,), 2, jnp.int32)

    cp1.wait()
    cp2.wait()

    @plsc.parallel_loop(0, n_it * 128, step=128)
    def edge_body(base):
        for j in range(8):
            off = base + j * 16
            s = ei_v[0, pl.ds(off, 16)]
            t = et_v[pl.ds(off, 16)]
            val = jnp.where(t >= two, hi_one, one)
            plsc.addupdate_scatter(hist_v, [t & one, s], val)

    pltpu.sync_copy(hist_v, out_hbm.at[pl.ds(wid * P, P)])


def _tc_body(c_ref, x_ref, w_ref, wl_ref, b_ref, o_ref):
    c = c_ref[...]
    low = (c & 0xFFFF).astype(jnp.float32)
    high = (c >> 16).astype(jnp.float32)
    g = lax.broadcasted_iota(jnp.int32, (P, NW * P), 1)
    p = lax.broadcasted_iota(jnp.int32, (P, NW * P), 0)
    sel = (g % P == p).astype(jnp.float32)
    c01 = jnp.dot(sel, low, preferred_element_type=jnp.float32)
    c23 = jnp.dot(sel, high, preferred_element_type=jnp.float32)
    c4 = jnp.concatenate([c01, c23], axis=0)
    x = x_ref[...]
    s4 = jnp.dot(c4, x, preferred_element_type=jnp.float32)
    colsum = jnp.sum(x, axis=0, keepdims=True)
    out = jnp.dot(colsum, wl_ref[...], preferred_element_type=jnp.float32)
    for rr in range(R):
        out = out + jnp.dot(s4[rr:rr + 1, :], w_ref[rr],
                            preferred_element_type=jnp.float32)
    o_ref[...] = out * (1.0 / N) + b_ref[...]


_tc_final = pl.pallas_call(
    _tc_body,
    out_shape=jax.ShapeDtypeStruct((1, D), jnp.float32),
)


@jax.jit
def kernel(x, edge_index, edge_type, W, W_loop, bias):
    counts = _sc_histogram(edge_index, edge_type)
    return _tc_final(counts, x, W, W_loop, bias.reshape(1, D))

# --- scband reference (transcript-rebuilt; emitter-appended) ---
"""Pipeline reference for scband-rgcn-17471926960529 (READ-ONLY COPY).

The authoritative reference and input builder live on the scoring server;
editing this copy changes nothing except your own understanding.
"""

import jax, jax.numpy as jnp
import numpy as np

N = 10000
E = 320000
D = 128
R = 4

def setup_inputs(seed: int = 0) -> dict:
    key = jax.random.key(seed)
    ks = jax.random.split(key, 6)
    x = jax.random.normal(ks[0], (N, D), dtype=jnp.float32)
    edge_index = jax.random.randint(ks[1], (2, E), 0, N, dtype=jnp.int32)
    edge_type = jax.random.randint(ks[2], (E,), 0, R, dtype=jnp.int32)
    # Learned parameters of the single RelGraphConv layer (num_layers=1 => i2h only,
    # no activation). Glorot-ish init.
    W = jax.random.normal(ks[3], (R, D, D), dtype=jnp.float32) * (1.0 / np.sqrt(D))
    W_loop = jax.random.normal(ks[4], (D, D), dtype=jnp.float32) * (1.0 / np.sqrt(D))
    bias = jnp.zeros((D,), dtype=jnp.float32)
    return {"x": x, "edge_index": edge_index, "edge_type": edge_type,
            "W": W, "W_loop": W_loop, "bias": bias}


def relgraphconv(x, edge_index, edge_type, W, W_loop, bias):
    # DGL RelGraphConv semantics (regularizer=None, norm=None, self_loop=True, bias=True):
    #   m_e = W_{etype(e)} @ h_{src(e)}
    #   agg_v = sum_{e: dst(e)=v} m_e
    #   h'_v = agg_v + h_v @ W_loop + bias
    src = edge_index[0]
    dst = edge_index[1]
    # Project every node by every relation weight, then gather per-edge message.
    # (Mathematically identical to per-edge W_{etype} h_src, avoids materializing [E,D,D].)
    h_all = jnp.einsum('nd,rdo->rno', x, W)        # [R, N, D_out]
    msg = h_all[edge_type, src]                     # gather -> [E, D_out]
    agg = jnp.zeros((x.shape[0], W.shape[2]), dtype=x.dtype).at[dst].add(msg)  # scatter-add
    h = agg + x @ W_loop + bias
    return h  # num_layers == 1 -> activation is None


def reference(x, edge_index, edge_type, W, W_loop, bias):
    h = relgraphconv(x, edge_index, edge_type, W, W_loop, bias)
    # AvgPooling over a single batched graph -> [1, D_out]
    return jnp.mean(h, axis=0, keepdims=True)

if __name__ == "__main__":
    import jax
    _d = setup_inputs()
    print(jax.jit(kernel)(*tuple(_d.values())))

</pallas_src>

<mosaic_0001>
#map = affine_map<(d0, d1) -> (0, 0)>
#map1 = affine_map<(d0, d1) -> (0)>
module attributes {stable_mosaic.version = 14 : i64} {
  func.func @_sc_histogram(%arg0: i32, %arg1: i32, %arg2: memref<2x320000xi32, #tpu.memory_space<hbm>>, %arg3: memref<320000xi32, #tpu.memory_space<hbm>>, %arg4: memref<64x10000xi32, #tpu.memory_space<hbm>>, %arg5: memref<2x10000xi32, #tpu.memory_space<vmem>>, %arg6: memref<2x10112xi32, #tpu.memory_space<vmem>>, %arg7: memref<10112xi32, #tpu.memory_space<vmem>>, %arg8: memref<!tpu.dma_semaphore, #tpu.memory_space<semaphore_mem>>, %arg9: memref<!tpu.dma_semaphore, #tpu.memory_space<semaphore_mem>>) attributes {dimension_semantics = [#tpu.dimension_semantics<core_parallel>, #tpu.dimension_semantics<subcore_parallel>], iteration_bounds = array<i64: 2, 16>, scalar_prefetch = 0 : i64, scratch_operands = 5 : i64, tpu.core_type = #tpu.core_type<sc_vector_subcore>, window_params = [{transform_indices = #map}, {transform_indices = #map1}, {transform_indices = #map}]} {
    %mul3A = arith.constant 2 : i32
    %mul3A_0 = arith.muli %arg1, %mul3A : i32
    %add3A = arith.addi %mul3A_0, %arg0 : i32
    %mul3A_1 = arith.constant 2500 : i32
    %mul3A_2 = arith.muli %add3A, %mul3A_1 : i32
    %jit3A = arith.constant 32 : i32
    %div3A = arith.divsi %mul3A_2, %jit3A : i32
    %sign3A = arith.constant 0 : i32
    %sign3A_3 = arith.cmpi sgt, %mul3A_2, %sign3A : i32
    %sign3A_4 = arith.extui %sign3A_3 : i1 to i32
    %sign3A_5 = arith.constant 0 : i32
    %sign3A_6 = arith.cmpi slt, %mul3A_2, %sign3A_5 : i32
    %sign3A_7 = arith.extui %sign3A_6 : i1 to i32
    %sign3A_8 = arith.subi %sign3A_4, %sign3A_7 : i32
    %sign3A_9 = arith.constant 0 : i32
    %sign3A_10 = arith.cmpi sgt, %jit3A, %sign3A_9 : i32
    %sign3A_11 = arith.extui %sign3A_10 : i1 to i32
    %sign3A_12 = arith.constant 0 : i32
    %sign3A_13 = arith.cmpi slt, %jit3A, %sign3A_12 : i32
    %sign3A_14 = arith.extui %sign3A_13 : i1 to i32
    %sign3A_15 = arith.subi %sign3A_11, %sign3A_14 : i32
    %ne3A = arith.cmpi ne, %sign3A_8, %sign3A_15 : i32
    %rem3A = arith.remsi %mul3A_2, %jit3A : i32
    %ne3A_16 = arith.constant 0 : i32
    %ne3A_17 = arith.cmpi ne, %rem3A, %ne3A_16 : i32
    %and3A = arith.andi %ne3A, %ne3A_17 : i1
    %sub3A = arith.constant 1 : i32
    %sub3A_18 = arith.subi %div3A, %sub3A : i32
    %select_n3A = arith.select %and3A, %sub3A_18, %div3A : i32
    %add3A_19 = arith.constant 1 : i32
    %add3A_20 = arith.addi %add3A, %add3A_19 : i32
    %mul3A_21 = arith.constant 2500 : i32
    %mul3A_22 = arith.muli %add3A_20, %mul3A_21 : i32
    %jit3A_23 = arith.constant 32 : i32
    %div3A_24 = arith.divsi %mul3A_22, %jit3A_23 : i32
    %sign3A_25 = arith.constant 0 : i32
    %sign3A_26 = arith.cmpi sgt, %mul3A_22, %sign3A_25 : i32
    %sign3A_27 = arith.extui %sign3A_26 : i1 to i32
    %sign3A_28 = arith.constant 0 : i32
    %sign3A_29 = arith.cmpi slt, %mul3A_22, %sign3A_28 : i32
    %sign3A_30 = arith.extui %sign3A_29 : i1 to i32
    %sign3A_31 = arith.subi %sign3A_27, %sign3A_30 : i32
    %sign3A_32 = arith.constant 0 : i32
    %sign3A_33 = arith.cmpi sgt, %jit3A_23, %sign3A_32 : i32
    %sign3A_34 = arith.extui %sign3A_33 : i1 to i32
    %sign3A_35 = arith.constant 0 : i32
    %sign3A_36 = arith.cmpi slt, %jit3A_23, %sign3A_35 : i32
    %sign3A_37 = arith.extui %sign3A_36 : i1 to i32
    %sign3A_38 = arith.subi %sign3A_34, %sign3A_37 : i32
    %ne3A_39 = arith.cmpi ne, %sign3A_31, %sign3A_38 : i32
    %rem3A_40 = arith.remsi %mul3A_22, %jit3A_23 : i32
    %ne3A_41 = arith.constant 0 : i32
    %ne3A_42 = arith.cmpi ne, %rem3A_40, %ne3A_41 : i32
    %and3A_43 = arith.andi %ne3A_39, %ne3A_42 : i1
    %sub3A_44 = arith.constant 1 : i32
    %sub3A_45 = arith.subi %div3A_24, %sub3A_44 : i32
    %select_n3A_46 = arith.select %and3A_43, %sub3A_45, %div3A_24 : i32
    %sub3A_47 = arith.subi %select_n3A_46, %select_n3A : i32
    %mul3A_48 = arith.constant 128 : i32
    %mul3A_49 = arith.muli %select_n3A, %mul3A_48 : i32
    %dma_start3A = arith.constant 0 : i32
    %dma_start3A_50 = tpu.memref_slice %arg2[%dma_start3A, %mul3A_49] : memref<2x320000xi32, #tpu.memory_space<hbm>> -> memref<2x10112xi32, #tpu.memory_space<hbm>>
    %dma_start3A_51 = arith.constant 0 : i32
    %dma_start3A_52 = tpu.memref_slice %arg2[%dma_start3A_51, %mul3A_49] : memref<2x320000xi32, #tpu.memory_space<hbm>> -> memref<2x10112xi32, #tpu.memory_space<hbm>>
    tpu.enqueue_dma source(%dma_start3A_52 : memref<2x10112xi32, #tpu.memory_space<hbm>>) target(%arg6 : memref<2x10112xi32, #tpu.memory_space<vmem>>) target_semaphore(%arg8 : memref<!tpu.dma_semaphore, #tpu.memory_space<semaphore_mem>>)
    %mul3A_53 = arith.constant 128 : i32
    %mul3A_54 = arith.muli %select_n3A, %mul3A_53 : i32
    %dma_start3A_55 = tpu.memref_slice %arg3[%mul3A_54] : memref<320000xi32, #tpu.memory_space<hbm>> -> memref<10112xi32, #tpu.memory_space<hbm>>
    %dma_start3A_56 = tpu.memref_slice %arg3[%mul3A_54] : memref<320000xi32, #tpu.memory_space<hbm>> -> memref<10112xi32, #tpu.memory_space<hbm>>
    tpu.enqueue_dma source(%dma_start3A_56 : memref<10112xi32, #tpu.memory_space<hbm>>) target(%arg7 : memref<10112xi32, #tpu.memory_space<vmem>>) target_semaphore(%arg9 : memref<!tpu.dma_semaphore, #tpu.memory_space<semaphore_mem>>)
    %broadcast_in_dim3A = arith.constant 0 : i32
    %broadcast_in_dim3A_57 = vector.broadcast %broadcast_in_dim3A : i32 to vector<16xi32>
    %parallel_loop3A = arith.constant 0 : i32
    %parallel_loop3A_58 = arith.constant 10000 : i32
    %parallel_loop3A_59 = arith.constant 400 : i32
    scf.for %parallel_loop3A_77 = %parallel_loop3A to %parallel_loop3A_58 step %parallel_loop3A_59  : i32 {
      %parallel_loop3A_78 = arith.constant 0 : i32
      %parallel_loop3A_79 = arith.addi %parallel_loop3A_77, %parallel_loop3A_78 : i32
      %parallel_loop3A_80 = arith.constant 0 : i32
      %parallel_loop3A_81 = arith.index_cast %parallel_loop3A_80 : i32 to index
      %parallel_loop3A_82 = arith.index_cast %parallel_loop3A_79 : i32 to index
      %parallel_loop3A_83 = tpu.vector_load %arg5[%parallel_loop3A_81, %parallel_loop3A_82] {strides = array<i32>} : memref<2x10000xi32, #tpu.memory_space<vmem>>, vector<16xi32>,
      tpu.vector_store %arg5[%parallel_loop3A_81, %parallel_loop3A_82], %broadcast_in_dim3A_57 {strides = array<i32>} : memref<2x10000xi32, #tpu.memory_space<vmem>>, vector<16xi32>,
      %parallel_loop3A_84 = arith.constant 1 : i32
      %parallel_loop3A_85 = arith.index_cast %parallel_loop3A_84 : i32 to index
      %parallel_loop3A_86 = arith.index_cast %parallel_loop3A_79 : i32 to index
      %parallel_loop3A_87 = tpu.vector_load %arg5[%parallel_loop3A_85, %parallel_loop3A_86] {strides = array<i32>} : memref<2x10000xi32, #tpu.memory_space<vmem>>, vector<16xi32>,
      tpu.vector_store %arg5[%parallel_loop3A_85, %parallel_loop3A_86], %broadcast_in_dim3A_57 {strides = array<i32>} : memref<2x10000xi32, #tpu.memory_space<vmem>>, vector<16xi32>,
      %parallel_loop3A_88 = arith.constant 16 : i32
      %parallel_loop3A_89 = arith.addi %parallel_loop3A_77, %parallel_loop3A_88 : i32
      %parallel_loop3A_90 = arith.constant 0 : i32
      %parallel_loop3A_91 = arith.index_cast %parallel_loop3A_90 : i32 to index
      %parallel_loop3A_92 = arith.index_cast %parallel_loop3A_89 : i32 to index
      %parallel_loop3A_93 = tpu.vector_load %arg5[%parallel_loop3A_91, %parallel_loop3A_92] {strides = array<i32>} : memref<2x10000xi32, #tpu.memory_space<vmem>>, vector<16xi32>,
      tpu.vector_store %arg5[%parallel_loop3A_91, %parallel_loop3A_92], %broadcast_in_dim3A_57 {strides = array<i32>} : memref<2x10000xi32, #tpu.memory_space<vmem>>, vector<16xi32>,
      %parallel_loop3A_94 = arith.constant 1 : i32
      %parallel_loop3A_95 = arith.index_cast %parallel_loop3A_94 : i32 to index
      %parallel_loop3A_96 = arith.index_cast %parallel_loop3A_89 : i32 to index
      %parallel_loop3A_97 = tpu.vector_load %arg5[%parallel_loop3A_95, %parallel_loop3A_96] {strides = array<i32>} : memref<2x10000xi32, #tpu.memory_space<vmem>>, vector<16xi32>,
      tpu.vector_store %arg5[%parallel_loop3A_95, %parallel_loop3A_96], %broadcast_in_dim3A_57 {strides = array<i32>} : memref<2x10000xi32, #tpu.memory_space<vmem>>, vector<16xi32>,
      %parallel_loop3A_98 = arith.constant 32 : i32
      %parallel_loop3A_99 = arith.addi %parallel_loop3A_77, %parallel_loop3A_98 : i32
      %parallel_loop3A_100 = arith.constant 0 : i32
      %parallel_loop3A_101 = arith.index_cast %parallel_loop3A_100 : i32 to index
      %parallel_loop3A_102 = arith.index_cast %parallel_loop3A_99 : i32 to index
      %parallel_loop3A_103 = tpu.vector_load %arg5[%parallel_loop3A_101, %parallel_loop3A_102] {strides = array<i32>} : memref<2x10000xi32, #tpu.memory_space<vmem>>, vector<16xi32>,
      tpu.vector_store %arg5[%parallel_loop3A_101, %parallel_loop3A_102], %broadcast_in_dim3A_57 {strides = array<i32>} : memref<2x10000xi32, #tpu.memory_space<vmem>>, vector<16xi32>,
      %parallel_loop3A_104 = arith.constant 1 : i32
      %parallel_loop3A_105 = arith.index_cast %parallel_loop3A_104 : i32 to index
      %parallel_loop3A_106 = arith.index_cast %parallel_loop3A_99 : i32 to index
      %parallel_loop3A_107 = tpu.vector_load %arg5[%parallel_loop3A_105, %parallel_loop3A_106] {strides = array<i32>} : memref<2x10000xi32, #tpu.memory_space<vmem>>, vector<16xi32>,
      tpu.vector_store %arg5[%parallel_loop3A_105, %parallel_loop3A_106], %broadcast_in_dim3A_57 {strides = array<i32>} : memref<2x10000xi32, #tpu.memory_space<vmem>>, vector<16xi32>,
      %parallel_loop3A_108 = arith.constant 48 : i32
      %parallel_loop3A_109 = arith.addi %parallel_loop3A_77, %parallel_loop3A_108 : i32
      %parallel_loop3A_110 = arith.constant 0 : i32
      %parallel_loop3A_111 = arith.index_cast %parallel_loop3A_110 : i32 to index
      %parallel_loop3A_112 = arith.index_cast %parallel_loop3A_109 : i32 to index
      %parallel_loop3A_113 = tpu.vector_load %arg5[%parallel_loop3A_111, %parallel_loop3A_112] {strides = array<i32>} : memref<2x10000xi32, #tpu.memory_space<vmem>>, vector<16xi32>,
      tpu.vector_store %arg5[%parallel_loop3A_111, %parallel_loop3A_112], %broadcast_in_dim3A_57 {strides = array<i32>} : memref<2x10000xi32, #tpu.memory_space<vmem>>, vector<16xi32>,
      %parallel_loop3A_114 = arith.constant 1 : i32
      %parallel_loop3A_115 = arith.index_cast %parallel_loop3A_114 : i32 to index
      %parallel_loop3A_116 = arith.index_cast %parallel_loop3A_109 : i32 to index
      %parallel_loop3A_117 = tpu.vector_load %arg5[%parallel_loop3A_115, %parallel_loop3A_116] {strides = array<i32>} : memref<2x10000xi32, #tpu.memory_space<vmem>>, vector<16xi32>,
      tpu.vector_store %arg5[%parallel_loop3A_115, %parallel_loop3A_116], %broadcast_in_dim3A_57 {strides = array<i32>} : memref<2x10000xi32, #tpu.memory_space<vmem>>, vector<16xi32>,
      %parallel_loop3A_118 = arith.constant 64 : i32
      %parallel_loop3A_119 = arith.addi %parallel_loop3A_77, %parallel_loop3A_118 : i32
      %parallel_loop3A_120 = arith.constant 0 : i32
      %parallel_loop3A_121 = arith.index_cast %parallel_loop3A_120 : i32 to index
      %parallel_loop3A_122 = arith.index_cast %parallel_loop3A_119 : i32 to index
      %parallel_loop3A_123 = tpu.vector_load %arg5[%parallel_loop3A_121, %parallel_loop3A_122] {strides = array<i32>} : memref<2x10000xi32, #tpu.memory_space<vmem>>, vector<16xi32>,
      tpu.vector_store %arg5[%parallel_loop3A_121, %parallel_loop3A_122], %broadcast_in_dim3A_57 {strides = array<i32>} : memref<2x10000xi32, #tpu.memory_space<vmem>>, vector<16xi32>,
      %parallel_loop3A_124 = arith.constant 1 : i32
      %parallel_loop3A_125 = arith.index_cast %parallel_loop3A_124 : i32 to index
      %parallel_loop3A_126 = arith.index_cast %parallel_loop3A_119 : i32 to index
      %parallel_loop3A_127 = tpu.vector_load %arg5[%parallel_loop3A_125, %parallel_loop3A_126] {strides = array<i32>} : memref<2x10000xi32, #tpu.memory_space<vmem>>, vector<16xi32>,
      tpu.vector_store %arg5[%parallel_loop3A_125, %parallel_loop3A_126], %broadcast_in_dim3A_57 {strides = array<i32>} : memref<2x10000xi32, #tpu.memory_space<vmem>>, vector<16xi32>,
      %parallel_loop3A_128 = arith.constant 80 : i32
      %parallel_loop3A_129 = arith.addi %parallel_loop3A_77, %parallel_loop3A_128 : i32
      %parallel_loop3A_130 = arith.constant 0 : i32
      %parallel_loop3A_131 = arith.index_cast %parallel_loop3A_130 : i32 to index
      %parallel_loop3A_132 = arith.index_cast %parallel_loop3A_129 : i32 to index
      %parallel_loop3A_133 = tpu.vector_load %arg5[%parallel_loop3A_131, %parallel_loop3A_132] {strides = array<i32>} : memref<2x10000xi32, #tpu.memory_space<vmem>>, vector<16xi32>,
      tpu.vector_store %arg5[%parallel_loop3A_131, %parallel_loop3A_132], %broadcast_in_dim3A_57 {strides = array<i32>} : memref<2x10000xi32, #tpu.memory_space<vmem>>, vector<16xi32>,
      %parallel_loop3A_134 = arith.constant 1 : i32
      %parallel_loop3A_135 = arith.index_cast %parallel_loop3A_134 : i32 to index
      %parallel_loop3A_136 = arith.index_cast %parallel_loop3A_129 : i32 to index
      %parallel_loop3A_137 = tpu.vector_load %arg5[%parallel_loop3A_135, %parallel_loop3A_136] {strides = array<i32>} : memref<2x10000xi32, #tpu.memory_space<vmem>>, vector<16xi32>,
      tpu.vector_store %arg5[%parallel_loop3A_135, %parallel_loop3A_136], %broadcast_in_dim3A_57 {strides = array<i32>} : memref<2x10000xi32, #tpu.memory_space<vmem>>, vector<16xi32>,
      %parallel_loop3A_138 = arith.constant 96 : i32
      %parallel_loop3A_139 = arith.addi %parallel_loop3A_77, %parallel_loop3A_138 : i32
      %parallel_loop3A_140 = arith.constant 0 : i32
      %parallel_loop3A_141 = arith.index_cast %parallel_loop3A_140 : i32 to index
      %parallel_loop3A_142 = arith.index_cast %parallel_loop3A_139 : i32 to index
      %parallel_loop3A_143 = tpu.vector_load %arg5[%parallel_loop3A_141, %parallel_loop3A_142] {strides = array<i32>} : memref<2x10000xi32, #tpu.memory_space<vmem>>, vector<16xi32>,
      tpu.vector_store %arg5[%parallel_loop3A_141, %parallel_loop3A_142], %broadcast_in_dim3A_57 {strides = array<i32>} : memref<2x10000xi32, #tpu.memory_space<vmem>>, vector<16xi32>,
      %parallel_loop3A_144 = arith.constant 1 : i32
      %parallel_loop3A_145 = arith.index_cast %parallel_loop3A_144 : i32 to index
      %parallel_loop3A_146 = arith.index_cast %parallel_loop3A_139 : i32 to index
      %parallel_loop3A_147 = tpu.vector_load %arg5[%parallel_loop3A_145, %parallel_loop3A_146] {strides = array<i32>} : memref<2x10000xi32, #tpu.memory_space<vmem>>, vector<16xi32>,
      tpu.vector_store %arg5[%parallel_loop3A_145, %parallel_loop3A_146], %broadcast_in_dim3A_57 {strides = array<i32>} : memref<2x10000xi32, #tpu.memory_space<vmem>>, vector<16xi32>,
      %parallel_loop3A_148 = arith.constant 112 : i32
      %parallel_loop3A_149 = arith.addi %parallel_loop3A_77, %parallel_loop3A_148 : i32
      %parallel_loop3A_150 = arith.constant 0 : i32
      %parallel_loop3A_151 = arith.index_cast %parallel_loop3A_150 : i32 to index
      %parallel_loop3A_152 = arith.index_cast %parallel_loop3A_149 : i32 to index
      %parallel_loop3A_153 = tpu.vector_load %arg5[%parallel_loop3A_151, %parallel_loop3A_152] {strides = array<i32>} : memref<2x10000xi32, #tpu.memory_space<vmem>>, vector<16xi32>,
      tpu.vector_store %arg5[%parallel_loop3A_151, %parallel_loop3A_152], %broadcast_in_dim3A_57 {strides = array<i32>} : memref<2x10000xi32, #tpu.memory_space<vmem>>, vector<16xi32>,
      %parallel_loop3A_154 = arith.constant 1 : i32
      %parallel_loop3A_155 = arith.index_cast %parallel_loop3A_154 : i32 to index
      %parallel_loop3A_156 = arith.index_cast %parallel_loop3A_149 : i32 to index
      %parallel_loop3A_157 = tpu.vector_load %arg5[%parallel_loop3A_155, %parallel_loop3A_156] {strides = array<i32>} : memref<2x10000xi32, #tpu.memory_space<vmem>>, vector<16xi32>,
      tpu.vector_store %arg5[%parallel_loop3A_155, %parallel_loop3A_156], %broadcast_in_dim3A_57 {strides = array<i32>} : memref<2x10000xi32, #tpu.memory_space<vmem>>, vector<16xi32>,
      %parallel_loop3A_158 = arith.constant 128 : i32
      %parallel_loop3A_159 = arith.addi %parallel_loop3A_77, %parallel_loop3A_158 : i32
      %parallel_loop3A_160 = arith.constant 0 : i32
      %parallel_loop3A_161 = arith.index_cast %parallel_loop3A_160 : i32 to index
      %parallel_loop3A_162 = arith.index_cast %parallel_loop3A_159 : i32 to index
      %parallel_loop3A_163 = tpu.vector_load %arg5[%parallel_loop3A_161, %parallel_loop3A_162] {strides = array<i32>} : memref<2x10000xi32, #tpu.memory_space<vmem>>, vector<16xi32>,
      tpu.vector_store %arg5[%parallel_loop3A_161, %parallel_loop3A_162], %broadcast_in_dim3A_57 {strides = array<i32>} : memref<2x10000xi32, #tpu.memory_space<vmem>>, vector<16xi32>,
      %parallel_loop3A_164 = arith.constant 1 : i32
      %parallel_loop3A_165 = arith.index_cast %parallel_loop3A_164 : i32 to index
      %parallel_loop3A_166 = arith.index_cast %parallel_loop3A_159 : i32 to index
      %parallel_loop3A_167 = tpu.vector_load %arg5[%parallel_loop3A_165, %parallel_loop3A_166] {strides = array<i32>} : memref<2x10000xi32, #tpu.memory_space<vmem>>, vector<16xi32>,
      tpu.vector_store %arg5[%parallel_loop3A_165, %parallel_loop3A_166], %broadcast_in_dim3A_57 {strides = array<i32>} : memref<2x10000xi32, #tpu.memory_space<vmem>>, vector<16xi32>,
      %parallel_loop3A_168 = arith.constant 144 : i32
      %parallel_loop3A_169 = arith.addi %parallel_loop3A_77, %parallel_loop3A_168 : i32
      %parallel_loop3A_170 = arith.constant 0 : i32
      %parallel_loop3A_171 = arith.index_cast %parallel_loop3A_170 : i32 to index
      %parallel_loop3A_172 = arith.index_cast %parallel_loop3A_169 : i32 to index
      %parallel_loop3A_173 = tpu.vector_load %arg5[%parallel_loop3A_171, %parallel_loop3A_172] {strides = array<i32>} : memref<2x10000xi32, #tpu.memory_space<vmem>>, vector<16xi32>,
      tpu.vector_store %arg5[%parallel_loop3A_171, %parallel_loop3A_172], %broadcast_in_dim3A_57 {strides = array<i32>} : memref<2x10000xi32, #tpu.memory_space<vmem>>, vector<16xi32>,
      %parallel_loop3A_174 = arith.constant 1 : i32
      %parallel_loop3A_175 = arith.index_cast %parallel_loop3A_174 : i32 to index
      %parallel_loop3A_176 = arith.index_cast %parallel_loop3A_169 : i32 to index
      %parallel_loop3A_177 = tpu.vector_load %arg5[%parallel_loop3A_175, %parallel_loop3A_176] {strides = array<i32>} : memref<2x10000xi32, #tpu.memory_space<vmem>>, vector<16xi32>,
      tpu.vector_store %arg5[%parallel_loop3A_175, %parallel_loop3A_176], %broadcast_in_dim3A_57 {strides = array<i32>} : memref<2x10000xi32, #tpu.memory_space<vmem>>, vector<16xi32>,
      %parallel_loop3A_178 = arith.constant 160 : i32
      %parallel_loop3A_179 = arith.addi %parallel_loop3A_77, %parallel_loop3A_178 : i32
      %parallel_loop3A_180 = arith.constant 0 : i32
      %parallel_loop3A_181 = arith.index_cast %parallel_loop3A_180 : i32 to index
      %parallel_loop3A_182 = arith.index_cast %parallel_loop3A_179 : i32 to index
      %parallel_loop3A_183 = tpu.vector_load %arg5[%parallel_loop3A_181, %parallel_loop3A_182] {strides = array<i32>} : memref<2x10000xi32, #tpu.memory_space<vmem>>, vector<16xi32>,
      tpu.vector_store %arg5[%parallel_loop3A_181, %parallel_loop3A_182], %broadcast_in_dim3A_57 {strides = array<i32>} : memref<2x10000xi32, #tpu.memory_space<vmem>>, vector<16xi32>,
      %parallel_loop3A_184 = arith.constant 1 : i32
      %parallel_loop3A_185 = arith.index_cast %parallel_loop3A_184 : i32 to index
      %parallel_loop3A_186 = arith.index_cast %parallel_loop3A_179 : i32 to index
      %parallel_loop3A_187 = tpu.vector_load %arg5[%parallel_loop3A_185, %parallel_loop3A_186] {strides = array<i32>} : memref<2x10000xi32, #tpu.memory_space<vmem>>, vector<16xi32>,
      tpu.vector_store %arg5[%parallel_loop3A_185, %parallel_loop3A_186], %broadcast_in_dim3A_57 {strides = array<i32>} : memref<2x10000xi32, #tpu.memory_space<vmem>>, vector<16xi32>,
      %parallel_loop3A_188 = arith.constant 176 : i32
      %parallel_loop3A_189 = arith.addi %parallel_loop3A_77, %parallel_loop3A_188 : i32
      %parallel_loop3A_190 = arith.constant 0 : i32
      %parallel_loop3A_191 = arith.index_cast %parallel_loop3A_190 : i32 to index
      %parallel_loop3A_192 = arith.index_cast %parallel_loop3A_189 : i32 to index
      %parallel_loop3A_193 = tpu.vector_load %arg5[%parallel_loop3A_191, %parallel_loop3A_192] {strides = array<i32>} : memref<2x10000xi32, #tpu.memory_space<vmem>>, vector<16xi32>,
      tpu.vector_store %arg5[%parallel_loop3A_191, %parallel_loop3A_192], %broadcast_in_dim3A_57 {strides = array<i32>} : memref<2x10000xi32, #tpu.memory_space<vmem>>, vector<16xi32>,
      %parallel_loop3A_194 = arith.constant 1 : i32
      %parallel_loop3A_195 = arith.index_cast %parallel_loop3A_194 : i32 to index
      %parallel_loop3A_196 = arith.index_cast %parallel_loop3A_189 : i32 to index
      %parallel_loop3A_197 = tpu.vector_load %arg5[%parallel_loop3A_195, %parallel_loop3A_196] {strides = array<i32>} : memref<2x10000xi32, #tpu.memory_space<vmem>>, vector<16xi32>,
      tpu.vector_store %arg5[%parallel_loop3A_195, %parallel_loop3A_196], %broadcast_in_dim3A_57 {strides = array<i32>} : memref<2x10000xi32, #tpu.memory_space<vmem>>, vector<16xi32>,
      %parallel_loop3A_198 = arith.constant 192 : i32
      %parallel_loop3A_199 = arith.addi %parallel_loop3A_77, %parallel_loop3A_198 : i32
      %parallel_loop3A_200 = arith.constant 0 : i32
      %parallel_loop3A_201 = arith.index_cast %parallel_loop3A_200 : i32 to index
      %parallel_loop3A_202 = arith.index_cast %parallel_loop3A_199 : i32 to index
      %parallel_loop3A_203 = tpu.vector_load %arg5[%parallel_loop3A_201, %parallel_loop3A_202] {strides = array<i32>} : memref<2x10000xi32, #tpu.memory_space<vmem>>, vector<16xi32>,
      tpu.vector_store %arg5[%parallel_loop3A_201, %parallel_loop3A_202], %broadcast_in_dim3A_57 {strides = array<i32>} : memref<2x10000xi32, #tpu.memory_space<vmem>>, vector<16xi32>,
      %parallel_loop3A_204 = arith.constant 1 : i32
      %parallel_loop3A_205 = arith.index_cast %parallel_loop3A_204 : i32 to index
      %parallel_loop3A_206 = arith.index_cast %parallel_loop3A_199 : i32 to index
      %parallel_loop3A_207 = tpu.vector_load %arg5[%parallel_loop3A_205, %parallel_loop3A_206] {strides = array<i32>} : memref<2x10000xi32, #tpu.memory_space<vmem>>, vector<16xi32>,
      tpu.vector_store %arg5[%parallel_loop3A_205, %parallel_loop3A_206], %broadcast_in_dim3A_57 {strides = array<i32>} : memref<2x10000xi32, #tpu.memory_space<vmem>>, vector<16xi32>,
      %parallel_loop3A_208 = arith.constant 208 : i32
      %parallel_loop3A_209 = arith.addi %parallel_loop3A_77, %parallel_loop3A_208 : i32
      %parallel_loop3A_210 = arith.constant 0 : i32
      %parallel_loop3A_211 = arith.index_cast %parallel_loop3A_210 : i32 to index
      %parallel_loop3A_212 = arith.index_cast %parallel_loop3A_209 : i32 to index
      %parallel_loop3A_213 = tpu.vector_load %arg5[%parallel_loop3A_211, %parallel_loop3A_212] {strides = array<i32>} : memref<2x10000xi32, #tpu.memory_space<vmem>>, vector<16xi32>,
      tpu.vector_store %arg5[%parallel_loop3A_211, %parallel_loop3A_212], %broadcast_in_dim3A_57 {strides = array<i32>} : memref<2x10000xi32, #tpu.memory_space<vmem>>, vector<16xi32>,
      %parallel_loop3A_214 = arith.constant 1 : i32
      %parallel_loop3A_215 = arith.index_cast %parallel_loop3A_214 : i32 to index
      %parallel_loop3A_216 = arith.index_cast %parallel_loop3A_209 : i32 to index
      %parallel_loop3A_217 = tpu.vector_load %arg5[%parallel_loop3A_215, %parallel_loop3A_216] {strides = array<i32>} : memref<2x10000xi32, #tpu.memory_space<vmem>>, vector<16xi32>,
      tpu.vector_store %arg5[%parallel_loop3A_215, %parallel_loop3A_216], %broadcast_in_dim3A_57 {strides = array<i32>} : memref<2x10000xi32, #tpu.memory_space<vmem>>, vector<16xi32>,
      %parallel_loop3A_218 = arith.constant 224 : i32
      %parallel_loop3A_219 = arith.addi %parallel_loop3A_77, %parallel_loop3A_218 : i32
      %parallel_loop3A_220 = arith.constant 0 : i32
      %parallel_loop3A_221 = arith.index_cast %parallel_loop3A_220 : i32 to index
      %parallel_loop3A_222 = arith.index_cast %parallel_loop3A_219 : i32 to index
      %parallel_loop3A_223 = tpu.vector_load %arg5[%parallel_loop3A_221, %parallel_loop3A_222] {strides = array<i32>} : memref<2x10000xi32, #tpu.memory_space<vmem>>, vector<16xi32>,
      tpu.vector_store %arg5[%parallel_loop3A_221, %parallel_loop3A_222], %broadcast_in_dim3A_57 {strides = array<i32>} : memref<2x10000xi32, #tpu.memory_space<vmem>>, vector<16xi32>,
      %parallel_loop3A_224 = arith.constant 1 : i32
      %parallel_loop3A_225 = arith.index_cast %parallel_loop3A_224 : i32 to index
      %parallel_loop3A_226 = arith.index_cast %parallel_loop3A_219 : i32 to index
      %parallel_loop3A_227 = tpu.vector_load %arg5[%parallel_loop3A_225, %parallel_loop3A_226] {strides = array<i32>} : memref<2x10000xi32, #tpu.memory_space<vmem>>, vector<16xi32>,
      tpu.vector_store %arg5[%parallel_loop3A_225, %parallel_loop3A_226], %broadcast_in_dim3A_57 {strides = array<i32>} : memref<2x10000xi32, #tpu.memory_space<vmem>>, vector<16xi32>,
      %parallel_loop3A_228 = arith.constant 240 : i32
      %parallel_loop3A_229 = arith.addi %parallel_loop3A_77, %parallel_loop3A_228 : i32
      %parallel_loop3A_230 = arith.constant 0 : i32
      %parallel_loop3A_231 = arith.index_cast %parallel_loop3A_230 : i32 to index
      %parallel_loop3A_232 = arith.index_cast %parallel_loop3A_229 : i32 to index
      %parallel_loop3A_233 = tpu.vector_load %arg5[%parallel_loop3A_231, %parallel_loop3A_232] {strides = array<i32>} : memref<2x10000xi32, #tpu.memory_space<vmem>>, vector<16xi32>,
      tpu.vector_store %arg5[%parallel_loop3A_231, %parallel_loop3A_232], %broadcast_in_dim3A_57 {strides = array<i32>} : memref<2x10000xi32, #tpu.memory_space<vmem>>, vector<16xi32>,
      %parallel_loop3A_234 = arith.constant 1 : i32
      %parallel_loop3A_235 = arith.index_cast %parallel_loop3A_234 : i32 to index
      %parallel_loop3A_236 = arith.index_cast %parallel_loop3A_229 : i32 to index
      %parallel_loop3A_237 = tpu.vector_load %arg5[%parallel_loop3A_235, %parallel_loop3A_236] {strides = array<i32>} : memref<2x10000xi32, #tpu.memory_space<vmem>>, vector<16xi32>,
      tpu.vector_store %arg5[%parallel_loop3A_235, %parallel_loop3A_236], %broadcast_in_dim3A_57 {strides = array<i32>} : memref<2x10000xi32, #tpu.memory_space<vmem>>, vector<16xi32>,
      %parallel_loop3A_238 = arith.constant 256 : i32
      %parallel_loop3A_239 = arith.addi %parallel_loop3A_77, %parallel_loop3A_238 : i32
      %parallel_loop3A_240 = arith.constant 0 : i32
      %parallel_loop3A_241 = arith.index_cast %parallel_loop3A_240 : i32 to index
      %parallel_loop3A_242 = arith.index_cast %parallel_loop3A_239 : i32 to index
      %parallel_loop3A_243 = tpu.vector_load %arg5[%parallel_loop3A_241, %parallel_loop3A_242] {strides = array<i32>} : memref<2x10000xi32, #tpu.memory_space<vmem>>, vector<16xi32>,
      tpu.vector_store %arg5[%parallel_loop3A_241, %parallel_loop3A_242], %broadcast_in_dim3A_57 {strides = array<i32>} : memref<2x10000xi32, #tpu.memory_space<vmem>>, vector<16xi32>,
      %parallel_loop3A_244 = arith.constant 1 : i32
      %parallel_loop3A_245 = arith.index_cast %parallel_loop3A_244 : i32 to index
      %parallel_loop3A_246 = arith.index_cast %parallel_loop3A_239 : i32 to index
      %parallel_loop3A_247 = tpu.vector_load %arg5[%parallel_loop3A_245, %parallel_loop3A_246] {strides = array<i32>} : memref<2x10000xi32, #tpu.memory_space<vmem>>, vector<16xi32>,
      tpu.vector_store %arg5[%parallel_loop3A_245, %parallel_loop3A_246], %broadcast_in_dim3A_57 {strides = array<i32>} : memref<2x10000xi32, #tpu.memory_space<vmem>>, vector<16xi32>,
      %parallel_loop3A_248 = arith.constant 272 : i32
      %parallel_loop3A_249 = arith.addi %parallel_loop3A_77, %parallel_loop3A_248 : i32
      %parallel_loop3A_250 = arith.constant 0 : i32
      %parallel_loop3A_251 = arith.index_cast %parallel_loop3A_250 : i32 to index
      %parallel_loop3A_252 = arith.index_cast %parallel_loop3A_249 : i32 to index
      %parallel_loop3A_253 = tpu.vector_load %arg5[%parallel_loop3A_251, %parallel_loop3A_252] {strides = array<i32>} : memref<2x10000xi32, #tpu.memory_space<vmem>>, vector<16xi32>,
      tpu.vector_store %arg5[%parallel_loop3A_251, %parallel_loop3A_252], %broadcast_in_dim3A_57 {strides = array<i32>} : memref<2x10000xi32, #tpu.memory_space<vmem>>, vector<16xi32>,
      %parallel_loop3A_254 = arith.constant 1 : i32
      %parallel_loop3A_255 = arith.index_cast %parallel_loop3A_254 : i32 to index
      %parallel_loop3A_256 = arith.index_cast %parallel_loop3A_249 : i32 to index
      %parallel_loop3A_257 = tpu.vector_load %arg5[%parallel_loop3A_255, %parallel_loop3A_256] {strides = array<i32>} : memref<2x10000xi32, #tpu.memory_space<vmem>>, vector<16xi32>,
      tpu.vector_store %arg5[%parallel_loop3A_255, %parallel_loop3A_256], %broadcast_in_dim3A_57 {strides = array<i32>} : memref<2x10000xi32, #tpu.memory_space<vmem>>, vector<16xi32>,
      %parallel_loop3A_258 = arith.constant 288 : i32
      %parallel_loop3A_259 = arith.addi %parallel_loop3A_77, %parallel_loop3A_258 : i32
      %parallel_loop3A_260 = arith.constant 0 : i32
      %parallel_loop3A_261 = arith.index_cast %parallel_loop3A_260 : i32 to index
      %parallel_loop3A_262 = arith.index_cast %parallel_loop3A_259 : i32 to index
      %parallel_loop3A_263 = tpu.vector_load %arg5[%parallel_loop3A_261, %parallel_loop3A_262] {strides = array<i32>} : memref<2x10000xi32, #tpu.memory_space<vmem>>, vector<16xi32>,
      tpu.vector_store %arg5[%parallel_loop3A_261, %parallel_loop3A_262], %broadcast_in_dim3A_57 {strides = array<i32>} : memref<2x10000xi32, #tpu.memory_space<vmem>>, vector<16xi32>,
      %parallel_loop3A_264 = arith.constant 1 : i32
      %parallel_loop3A_265 = arith.index_cast %parallel_loop3A_264 : i32 to index
      %parallel_loop3A_266 = arith.index_cast %parallel_loop3A_259 : i32 to index
      %parallel_loop3A_267 = tpu.vector_load %arg5[%parallel_loop3A_265, %parallel_loop3A_266] {strides = array<i32>} : memref<2x10000xi32, #tpu.memory_space<vmem>>, vector<16xi32>,
      tpu.vector_store %arg5[%parallel_loop3A_265, %parallel_loop3A_266], %broadcast_in_dim3A_57 {strides = array<i32>} : memref<2x10000xi32, #tpu.memory_space<vmem>>, vector<16xi32>,
      %parallel_loop3A_268 = arith.constant 304 : i32
      %parallel_loop3A_269 = arith.addi %parallel_loop3A_77, %parallel_loop3A_268 : i32
      %parallel_loop3A_270 = arith.constant 0 : i32
      %parallel_loop3A_271 = arith.index_cast %parallel_loop3A_270 : i32 to index
      %parallel_loop3A_272 = arith.index_cast %parallel_loop3A_269 : i32 to index
      %parallel_loop3A_273 = tpu.vector_load %arg5[%parallel_loop3A_271, %parallel_loop3A_272] {strides = array<i32>} : memref<2x10000xi32, #tpu.memory_space<vmem>>, vector<16xi32>,
      tpu.vector_store %arg5[%parallel_loop3A_271, %parallel_loop3A_272], %broadcast_in_dim3A_57 {strides = array<i32>} : memref<2x10000xi32, #tpu.memory_space<vmem>>, vector<16xi32>,
      %parallel_loop3A_274 = arith.constant 1 : i32
      %parallel_loop3A_275 = arith.index_cast %parallel_loop3A_274 : i32 to index
      %parallel_loop3A_276 = arith.index_cast %parallel_loop3A_269 : i32 to index
      %parallel_loop3A_277 = tpu.vector_load %arg5[%parallel_loop3A_275, %parallel_loop3A_276] {strides = array<i32>} : memref<2x10000xi32, #tpu.memory_space<vmem>>, vector<16xi32>,
      tpu.vector_store %arg5[%parallel_loop3A_275, %parallel_loop3A_276], %broadcast_in_dim3A_57 {strides = array<i32>} : memref<2x10000xi32, #tpu.memory_space<vmem>>, vector<16xi32>,
      %parallel_loop3A_278 = arith.constant 320 : i32
      %parallel_loop3A_279 = arith.addi %parallel_loop3A_77, %parallel_loop3A_278 : i32
      %parallel_loop3A_280 = arith.constant 0 : i32
      %parallel_loop3A_281 = arith.index_cast %parallel_loop3A_280 : i32 to index
      %parallel_loop3A_282 = arith.index_cast %parallel_loop3A_279 : i32 to index
      %parallel_loop3A_283 = tpu.vector_load %arg5[%parallel_loop3A_281, %parallel_loop3A_282] {strides = array<i32>} : memref<2x10000xi32, #tpu.memory_space<vmem>>, vector<16xi32>,
      tpu.vector_store %arg5[%parallel_loop3A_281, %parallel_loop3A_282], %broadcast_in_dim3A_57 {strides = array<i32>} : memref<2x10000xi32, #tpu.memory_space<vmem>>, vector<16xi32>,
      %parallel_loop3A_284 = arith.constant 1 : i32
      %parallel_loop3A_285 = arith.index_cast %parallel_loop3A_284 : i32 to index
      %parallel_loop3A_286 = arith.index_cast %parallel_loop3A_279 : i32 to index
      %parallel_loop3A_287 = tpu.vector_load %arg5[%parallel_loop3A_285, %parallel_loop3A_286] {strides = array<i32>} : memref<2x10000xi32, #tpu.memory_space<vmem>>, vector<16xi32>,
      tpu.vector_store %arg5[%parallel_loop3A_285, %parallel_loop3A_286], %broadcast_in_dim3A_57 {strides = array<i32>} : memref<2x10000xi32, #tpu.memory_space<vmem>>, vector<16xi32>,
      %parallel_loop3A_288 = arith.constant 336 : i32
      %parallel_loop3A_289 = arith.addi %parallel_loop3A_77, %parallel_loop3A_288 : i32
      %parallel_loop3A_290 = arith.constant 0 : i32
      %parallel_loop3A_291 = arith.index_cast %parallel_loop3A_290 : i32 to index
      %parallel_loop3A_292 = arith.index_cast %parallel_loop3A_289 : i32 to index
      %parallel_loop3A_293 = tpu.vector_load %arg5[%parallel_loop3A_291, %parallel_loop3A_292] {strides = array<i32>} : memref<2x10000xi32, #tpu.memory_space<vmem>>, vector<16xi32>,
      tpu.vector_store %arg5[%parallel_loop3A_291, %parallel_loop3A_292], %broadcast_in_dim3A_57 {strides = array<i32>} : memref<2x10000xi32, #tpu.memory_space<vmem>>, vector<16xi32>,
      %parallel_loop3A_294 = arith.constant 1 : i32
      %parallel_loop3A_295 = arith.index_cast %parallel_loop3A_294 : i32 to index
      %parallel_loop3A_296 = arith.index_cast %parallel_loop3A_289 : i32 to index
      %parallel_loop3A_297 = tpu.vector_load %arg5[%parallel_loop3A_295, %parallel_loop3A_296] {strides = array<i32>} : memref<2x10000xi32, #tpu.memory_space<vmem>>, vector<16xi32>,
      tpu.vector_store %arg5[%parallel_loop3A_295, %parallel_loop3A_296], %broadcast_in_dim3A_57 {strides = array<i32>} : memref<2x10000xi32, #tpu.memory_space<vmem>>, vector<16xi32>,
      %parallel_loop3A_298 = arith.constant 352 : i32
      %parallel_loop3A_299 = arith.addi %parallel_loop3A_77, %parallel_loop3A_298 : i32
      %parallel_loop3A_300 = arith.constant 0 : i32
      %parallel_loop3A_301 = arith.index_cast %parallel_loop3A_300 : i32 to index
      %parallel_loop3A_302 = arith.index_cast %parallel_loop3A_299 : i32 to index
      %parallel_loop3A_303 = tpu.vector_load %arg5[%parallel_loop3A_301, %parallel_loop3A_302] {strides = array<i32>} : memref<2x10000xi32, #tpu.memory_space<vmem>>, vector<16xi32>,
      tpu.vector_store %arg5[%parallel_loop3A_301, %parallel_loop3A_302], %broadcast_in_dim3A_57 {strides = array<i32>} : memref<2x10000xi32, #tpu.memory_space<vmem>>, vector<16xi32>,
      %parallel_loop3A_304 = arith.constant 1 : i32
      %parallel_loop3A_305 = arith.index_cast %parallel_loop3A_304 : i32 to index
      %parallel_loop3A_306 = arith.index_cast %parallel_loop3A_299 : i32 to index
      %parallel_loop3A_307 = tpu.vector_load %arg5[%parallel_loop3A_305, %parallel_loop3A_306] {strides = array<i32>} : memref<2x10000xi32, #tpu.memory_space<vmem>>, vector<16xi32>,
      tpu.vector_store %arg5[%parallel_loop3A_305, %parallel_loop3A_306], %broadcast_in_dim3A_57 {strides = array<i32>} : memref<2x10000xi32, #tpu.memory_space<vmem>>, vector<16xi32>,
      %parallel_loop3A_308 = arith.constant 368 : i32
      %parallel_loop3A_309 = arith.addi %parallel_loop3A_77, %parallel_loop3A_308 : i32
      %parallel_loop3A_310 = arith.constant 0 : i32
      %parallel_loop3A_311 = arith.index_cast %parallel_loop3A_310 : i32 to index
      %parallel_loop3A_312 = arith.index_cast %parallel_loop3A_309 : i32 to index
      %parallel_loop3A_313 = tpu.vector_load %arg5[%parallel_loop3A_311, %parallel_loop3A_312] {strides = array<i32>} : memref<2x10000xi32, #tpu.memory_space<vmem>>, vector<16xi32>,
      tpu.vector_store %arg5[%parallel_loop3A_311, %parallel_loop3A_312], %broadcast_in_dim3A_57 {strides = array<i32>} : memref<2x10000xi32, #tpu.memory_space<vmem>>, vector<16xi32>,
      %parallel_loop3A_314 = arith.constant 1 : i32
      %parallel_loop3A_315 = arith.index_cast %parallel_loop3A_314 : i32 to index
      %parallel_loop3A_316 = arith.index_cast %parallel_loop3A_309 : i32 to index
      %parallel_loop3A_317 = tpu.vector_load %arg5[%parallel_loop3A_315, %parallel_loop3A_316] {strides = array<i32>} : memref<2x10000xi32, #tpu.memory_space<vmem>>, vector<16xi32>,
      tpu.vector_store %arg5[%parallel_loop3A_315, %parallel_loop3A_316], %broadcast_in_dim3A_57 {strides = array<i32>} : memref<2x10000xi32, #tpu.memory_space<vmem>>, vector<16xi32>,
      %parallel_loop3A_318 = arith.constant 384 : i32
      %parallel_loop3A_319 = arith.addi %parallel_loop3A_77, %parallel_loop3A_318 : i32
      %parallel_loop3A_320 = arith.constant 0 : i32
      %parallel_loop3A_321 = arith.index_cast %parallel_loop3A_320 : i32 to index
      %parallel_loop3A_322 = arith.index_cast %parallel_loop3A_319 : i32 to index
      %parallel_loop3A_323 = tpu.vector_load %arg5[%parallel_loop3A_321, %parallel_loop3A_322] {strides = array<i32>} : memref<2x10000xi32, #tpu.memory_space<vmem>>, vector<16xi32>,
      tpu.vector_store %arg5[%parallel_loop3A_321, %parallel_loop3A_322], %broadcast_in_dim3A_57 {strides = array<i32>} : memref<2x10000xi32, #tpu.memory_space<vmem>>, vector<16xi32>,
      %parallel_loop3A_324 = arith.constant 1 : i32
      %parallel_loop3A_325 = arith.index_cast %parallel_loop3A_324 : i32 to index
      %parallel_loop3A_326 = arith.index_cast %parallel_loop3A_319 : i32 to index
      %parallel_loop3A_327 = tpu.vector_load %arg5[%parallel_loop3A_325, %parallel_loop3A_326] {strides = array<i32>} : memref<2x10000xi32, #tpu.memory_space<vmem>>, vector<16xi32>,
      tpu.vector_store %arg5[%parallel_loop3A_325, %parallel_loop3A_326], %broadcast_in_dim3A_57 {strides = array<i32>} : memref<2x10000xi32, #tpu.memory_space<vmem>>, vector<16xi32>,
    } {sc.loop_unroll_factor = 1 : i64, sc.parallel_access}
    %broadcast_in_dim3A_60 = arith.constant 1 : i32
    %broadcast_in_dim3A_61 = vector.broadcast %broadcast_in_dim3A_60 : i32 to vector<16xi32>
    %broadcast_in_dim3A_62 = arith.constant 65536 : i32
    %broadcast_in_dim3A_63 = vector.broadcast %broadcast_in_dim3A_62 : i32 to vector<16xi32>
    %broadcast_in_dim3A_64 = arith.constant 2 : i32
    %broadcast_in_dim3A_65 = vector.broadcast %broadcast_in_dim3A_64 : i32 to vector<16xi32>
    %dma_wait3A = arith.constant 0 : i32
    %dma_wait3A_66 = tpu.memref_slice %arg2[%dma_wait3A, %mul3A_49] : memref<2x320000xi32, #tpu.memory_space<hbm>> -> memref<2x10112xi32, #tpu.memory_space<hbm>>
    %dma_wait3A_67 = arith.constant 0 : i32
    %dma_wait3A_68 = tpu.memref_slice %arg2[%dma_wait3A_67, %mul3A_49] : memref<2x320000xi32, #tpu.memory_space<hbm>> -> memref<2x10112xi32, #tpu.memory_space<hbm>>
    tpu.wait_dma2 semaphore(%arg8 : memref<!tpu.dma_semaphore, #tpu.memory_space<semaphore_mem>>) src(%dma_wait3A_68 : memref<2x10112xi32, #tpu.memory_space<hbm>>) dst(%arg6 : memref<2x10112xi32, #tpu.memory_space<vmem>>)
    %dma_wait3A_69 = tpu.memref_slice %arg3[%mul3A_54] : memref<320000xi32, #tpu.memory_space<hbm>> -> memref<10112xi32, #tpu.memory_space<hbm>>
    %dma_wait3A_70 = tpu.memref_slice %arg3[%mul3A_54] : memref<320000xi32, #tpu.memory_space<hbm>> -> memref<10112xi32, #tpu.memory_space<hbm>>
    tpu.wait_dma2 semaphore(%arg9 : memref<!tpu.dma_semaphore, #tpu.memory_space<semaphore_mem>>) src(%dma_wait3A_70 : memref<10112xi32, #tpu.memory_space<hbm>>) dst(%arg7 : memref<10112xi32, #tpu.memory_space<vmem>>)
    %mul3A_71 = arith.constant 128 : i32
    %mul3A_72 = arith.muli %sub3A_47, %mul3A_71 : i32
    %parallel_loop3A_73 = arith.constant 0 : i32
    %parallel_loop3A_74 = arith.constant 128 : i32
    scf.for %parallel_loop3A_77 = %parallel_loop3A_73 to %mul3A_72 step %parallel_loop3A_74  : i32 {
      %parallel_loop3A_78 = arith.constant 0 : i32
      %parallel_loop3A_79 = arith.addi %parallel_loop3A_77, %parallel_loop3A_78 : i32
      %parallel_loop3A_80 = arith.constant 0 : i32
      %parallel_loop3A_81 = arith.index_cast %parallel_loop3A_80 : i32 to index
      %parallel_loop3A_82 = arith.index_cast %parallel_loop3A_79 : i32 to index
      %parallel_loop3A_83 = tpu.vector_load %arg6[%parallel_loop3A_81, %parallel_loop3A_82] {strides = array<i32>} : memref<2x10112xi32, #tpu.memory_space<vmem>>, vector<16xi32>,
      %parallel_loop3A_84 = arith.index_cast %parallel_loop3A_79 : i32 to index
      %parallel_loop3A_85 = tpu.vector_load %arg7[%parallel_loop3A_84] {strides = array<i32>} : memref<10112xi32, #tpu.memory_space<vmem>>, vector<16xi32>,
      %parallel_loop3A_86 = arith.cmpi sge, %parallel_loop3A_85, %broadcast_in_dim3A_65 : vector<16xi32>
      %parallel_loop3A_87 = arith.select %parallel_loop3A_86, %broadcast_in_dim3A_63, %broadcast_in_dim3A_61 : vector<16xi1>, vector<16xi32>
      %parallel_loop3A_88 = arith.andi %parallel_loop3A_85, %broadcast_in_dim3A_61 : vector<16xi32>
      tpu.vector_store_idx %arg5[%parallel_loop3A_88, %parallel_loop3A_83], %parallel_loop3A_87 {add = true} : memref<2x10000xi32, #tpu.memory_space<vmem>>[vector<16xi32>, vector<16xi32>], vector<16xi32>,
      %parallel_loop3A_89 = arith.constant 16 : i32
      %parallel_loop3A_90 = arith.addi %parallel_loop3A_77, %parallel_loop3A_89 : i32
      %parallel_loop3A_91 = arith.constant 0 : i32
      %parallel_loop3A_92 = arith.index_cast %parallel_loop3A_91 : i32 to index
      %parallel_loop3A_93 = arith.index_cast %parallel_loop3A_90 : i32 to index
      %parallel_loop3A_94 = tpu.vector_load %arg6[%parallel_loop3A_92, %parallel_loop3A_93] {strides = array<i32>} : memref<2x10112xi32, #tpu.memory_space<vmem>>, vector<16xi32>,
      %parallel_loop3A_95 = arith.index_cast %parallel_loop3A_90 : i32 to index
      %parallel_loop3A_96 = tpu.vector_load %arg7[%parallel_loop3A_95] {strides = array<i32>} : memref<10112xi32, #tpu.memory_space<vmem>>, vector<16xi32>,
      %parallel_loop3A_97 = arith.cmpi sge, %parallel_loop3A_96, %broadcast_in_dim3A_65 : vector<16xi32>
      %parallel_loop3A_98 = arith.select %parallel_loop3A_97, %broadcast_in_dim3A_63, %broadcast_in_dim3A_61 : vector<16xi1>, vector<16xi32>
      %parallel_loop3A_99 = arith.andi %parallel_loop3A_96, %broadcast_in_dim3A_61 : vector<16xi32>
      tpu.vector_store_idx %arg5[%parallel_loop3A_99, %parallel_loop3A_94], %parallel_loop3A_98 {add = true} : memref<2x10000xi32, #tpu.memory_space<vmem>>[vector<16xi32>, vector<16xi32>], vector<16xi32>,
      %parallel_loop3A_100 = arith.constant 32 : i32
      %parallel_loop3A_101 = arith.addi %parallel_loop3A_77, %parallel_loop3A_100 : i32
      %parallel_loop3A_102 = arith.constant 0 : i32
      %parallel_loop3A_103 = arith.index_cast %parallel_loop3A_102 : i32 to index
      %parallel_loop3A_104 = arith.index_cast %parallel_loop3A_101 : i32 to index
      %parallel_loop3A_105 = tpu.vector_load %arg6[%parallel_loop3A_103, %parallel_loop3A_104] {strides = array<i32>} : memref<2x10112xi32, #tpu.memory_space<vmem>>, vector<16xi32>,
      %parallel_loop3A_106 = arith.index_cast %parallel_loop3A_101 : i32 to index
      %parallel_loop3A_107 = tpu.vector_load %arg7[%parallel_loop3A_106] {strides = array<i32>} : memref<10112xi32, #tpu.memory_space<vmem>>, vector<16xi32>,
      %parallel_loop3A_108 = arith.cmpi sge, %parallel_loop3A_107, %broadcast_in_dim3A_65 : vector<16xi32>
      %parallel_loop3A_109 = arith.select %parallel_loop3A_108, %broadcast_in_dim3A_63, %broadcast_in_dim3A_61 : vector<16xi1>, vector<16xi32>
      %parallel_loop3A_110 = arith.andi %parallel_loop3A_107, %broadcast_in_dim3A_61 : vector<16xi32>
      tpu.vector_store_idx %arg5[%parallel_loop3A_110, %parallel_loop3A_105], %parallel_loop3A_109 {add = true} : memref<2x10000xi32, #tpu.memory_space<vmem>>[vector<16xi32>, vector<16xi32>], vector<16xi32>,
      %parallel_loop3A_111 = arith.constant 48 : i32
      %parallel_loop3A_112 = arith.addi %parallel_loop3A_77, %parallel_loop3A_111 : i32
      %parallel_loop3A_113 = arith.constant 0 : i32
      %parallel_loop3A_114 = arith.index_cast %parallel_loop3A_113 : i32 to index
      %parallel_loop3A_115 = arith.index_cast %parallel_loop3A_112 : i32 to index
      %parallel_loop3A_116 = tpu.vector_load %arg6[%parallel_loop3A_114, %parallel_loop3A_115] {strides = array<i32>} : memref<2x10112xi32, #tpu.memory_space<vmem>>, vector<16xi32>,
      %parallel_loop3A_117 = arith.index_cast %parallel_loop3A_112 : i32 to index
      %parallel_loop3A_118 = tpu.vector_load %arg7[%parallel_loop3A_117] {strides = array<i32>} : memref<10112xi32, #tpu.memory_space<vmem>>, vector<16xi32>,
      %parallel_loop3A_119 = arith.cmpi sge, %parallel_loop3A_118, %broadcast_in_dim3A_65 : vector<16xi32>
      %parallel_loop3A_120 = arith.select %parallel_loop3A_119, %broadcast_in_dim3A_63, %broadcast_in_dim3A_61 : vector<16xi1>, vector<16xi32>
      %parallel_loop3A_121 = arith.andi %parallel_loop3A_118, %broadcast_in_dim3A_61 : vector<16xi32>
      tpu.vector_store_idx %arg5[%parallel_loop3A_121, %parallel_loop3A_116], %parallel_loop3A_120 {add = true} : memref<2x10000xi32, #tpu.memory_space<vmem>>[vector<16xi32>, vector<16xi32>], vector<16xi32>,
      %parallel_loop3A_122 = arith.constant 64 : i32
      %parallel_loop3A_123 = arith.addi %parallel_loop3A_77, %parallel_loop3A_122 : i32
      %parallel_loop3A_124 = arith.constant 0 : i32
      %parallel_loop3A_125 = arith.index_cast %parallel_loop3A_124 : i32 to index
      %parallel_loop3A_126 = arith.index_cast %parallel_loop3A_123 : i32 to index
      %parallel_loop3A_127 = tpu.vector_load %arg6[%parallel_loop3A_125, %parallel_loop3A_126] {strides = array<i32>} : memref<2x10112xi32, #tpu.memory_space<vmem>>, vector<16xi32>,
      %parallel_loop3A_128 = arith.index_cast %parallel_loop3A_123 : i32 to index
      %parallel_loop3A_129 = tpu.vector_load %arg7[%parallel_loop3A_128] {strides = array<i32>} : memref<10112xi32, #tpu.memory_space<vmem>>, vector<16xi32>,
      %parallel_loop3A_130 = arith.cmpi sge, %parallel_loop3A_129, %broadcast_in_dim3A_65 : vector<16xi32>
      %parallel_loop3A_131 = arith.select %parallel_loop3A_130, %broadcast_in_dim3A_63, %broadcast_in_dim3A_61 : vector<16xi1>, vector<16xi32>
      %parallel_loop3A_132 = arith.andi %parallel_loop3A_129, %broadcast_in_dim3A_61 : vector<16xi32>
      tpu.vector_store_idx %arg5[%parallel_loop3A_132, %parallel_loop3A_127], %parallel_loop3A_131 {add = true} : memref<2x10000xi32, #tpu.memory_space<vmem>>[vector<16xi32>, vector<16xi32>], vector<16xi32>,
      %parallel_loop3A_133 = arith.constant 80 : i32
      %parallel_loop3A_134 = arith.addi %parallel_loop3A_77, %parallel_loop3A_133 : i32
      %parallel_loop3A_135 = arith.constant 0 : i32
      %parallel_loop3A_136 = arith.index_cast %parallel_loop3A_135 : i32 to index
      %parallel_loop3A_137 = arith.index_cast %parallel_loop3A_134 : i32 to index
      %parallel_loop3A_138 = tpu.vector_load %arg6[%parallel_loop3A_136, %parallel_loop3A_137] {strides = array<i32>} : memref<2x10112xi32, #tpu.memory_space<vmem>>, vector<16xi32>,
      %parallel_loop3A_139 = arith.index_cast %parallel_loop3A_134 : i32 to index
      %parallel_loop3A_140 = tpu.vector_load %arg7[%parallel_loop3A_139] {strides = array<i32>} : memref<10112xi32, #tpu.memory_space<vmem>>, vector<16xi32>,
      %parallel_loop3A_141 = arith.cmpi sge, %parallel_loop3A_140, %broadcast_in_dim3A_65 : vector<16xi32>
      %parallel_loop3A_142 = arith.select %parallel_loop3A_141, %broadcast_in_dim3A_63, %broadcast_in_dim3A_61 : vector<16xi1>, vector<16xi32>
      %parallel_loop3A_143 = arith.andi %parallel_loop3A_140, %broadcast_in_dim3A_61 : vector<16xi32>
      tpu.vector_store_idx %arg5[%parallel_loop3A_143, %parallel_loop3A_138], %parallel_loop3A_142 {add = true} : memref<2x10000xi32, #tpu.memory_space<vmem>>[vector<16xi32>, vector<16xi32>], vector<16xi32>,
      %parallel_loop3A_144 = arith.constant 96 : i32
      %parallel_loop3A_145 = arith.addi %parallel_loop3A_77, %parallel_loop3A_144 : i32
      %parallel_loop3A_146 = arith.constant 0 : i32
      %parallel_loop3A_147 = arith.index_cast %parallel_loop3A_146 : i32 to index
      %parallel_loop3A_148 = arith.index_cast %parallel_loop3A_145 : i32 to index
      %parallel_loop3A_149 = tpu.vector_load %arg6[%parallel_loop3A_147, %parallel_loop3A_148] {strides = array<i32>} : memref<2x10112xi32, #tpu.memory_space<vmem>>, vector<16xi32>,
      %parallel_loop3A_150 = arith.index_cast %parallel_loop3A_145 : i32 to index
      %parallel_loop3A_151 = tpu.vector_load %arg7[%parallel_loop3A_150] {strides = array<i32>} : memref<10112xi32, #tpu.memory_space<vmem>>, vector<16xi32>,
      %parallel_loop3A_152 = arith.cmpi sge, %parallel_loop3A_151, %broadcast_in_dim3A_65 : vector<16xi32>
      %parallel_loop3A_153 = arith.select %parallel_loop3A_152, %broadcast_in_dim3A_63, %broadcast_in_dim3A_61 : vector<16xi1>, vector<16xi32>
      %parallel_loop3A_154 = arith.andi %parallel_loop3A_151, %broadcast_in_dim3A_61 : vector<16xi32>
      tpu.vector_store_idx %arg5[%parallel_loop3A_154, %parallel_loop3A_149], %parallel_loop3A_153 {add = true} : memref<2x10000xi32, #tpu.memory_space<vmem>>[vector<16xi32>, vector<16xi32>], vector<16xi32>,
      %parallel_loop3A_155 = arith.constant 112 : i32
      %parallel_loop3A_156 = arith.addi %parallel_loop3A_77, %parallel_loop3A_155 : i32
      %parallel_loop3A_157 = arith.constant 0 : i32
      %parallel_loop3A_158 = arith.index_cast %parallel_loop3A_157 : i32 to index
      %parallel_loop3A_159 = arith.index_cast %parallel_loop3A_156 : i32 to index
      %parallel_loop3A_160 = tpu.vector_load %arg6[%parallel_loop3A_158, %parallel_loop3A_159] {strides = array<i32>} : memref<2x10112xi32, #tpu.memory_space<vmem>>, vector<16xi32>,
      %parallel_loop3A_161 = arith.index_cast %parallel_loop3A_156 : i32 to index
      %parallel_loop3A_162 = tpu.vector_load %arg7[%parallel_loop3A_161] {strides = array<i32>} : memref<10112xi32, #tpu.memory_space<vmem>>, vector<16xi32>,
      %parallel_loop3A_163 = arith.cmpi sge, %parallel_loop3A_162, %broadcast_in_dim3A_65 : vector<16xi32>
      %parallel_loop3A_164 = arith.select %parallel_loop3A_163, %broadcast_in_dim3A_63, %broadcast_in_dim3A_61 : vector<16xi1>, vector<16xi32>
      %parallel_loop3A_165 = arith.andi %parallel_loop3A_162, %broadcast_in_dim3A_61 : vector<16xi32>
      tpu.vector_store_idx %arg5[%parallel_loop3A_165, %parallel_loop3A_160], %parallel_loop3A_164 {add = true} : memref<2x10000xi32, #tpu.memory_space<vmem>>[vector<16xi32>, vector<16xi32>], vector<16xi32>,
    } {sc.loop_unroll_factor = 1 : i64, sc.parallel_access}
    %mul3A_75 = arith.constant 2 : i32
    %mul3A_76 = arith.muli %add3A, %mul3A_75 : i32
    "tpu.region"() ({
      %run_scoped3A = tpu.sem_alloc : memref<!tpu.dma_semaphore, #tpu.memory_space<semaphore_mem>>
      %dma_start3A_77 = arith.constant 0 : i32
      %dma_start3A_78 = tpu.memref_slice %arg4[%mul3A_76, %dma_start3A_77] : memref<64x10000xi32, #tpu.memory_space<hbm>> -> memref<2x10000xi32, #tpu.memory_space<hbm>>
      %dma_start3A_79 = arith.constant 0 : i32
      %dma_start3A_80 = tpu.memref_slice %arg4[%mul3A_76, %dma_start3A_79] : memref<64x10000xi32, #tpu.memory_space<hbm>> -> memref<2x10000xi32, #tpu.memory_space<hbm>>
      tpu.enqueue_dma source(%arg5 : memref<2x10000xi32, #tpu.memory_space<vmem>>) target(%dma_start3A_80 : memref<2x10000xi32, #tpu.memory_space<hbm>>) target_semaphore(%run_scoped3A : memref<!tpu.dma_semaphore, #tpu.memory_space<semaphore_mem>>)
      %dma_wait3A_81 = arith.constant 0 : i32
      %dma_wait3A_82 = tpu.memref_slice %arg4[%mul3A_76, %dma_wait3A_81] : memref<64x10000xi32, #tpu.memory_space<hbm>> -> memref<2x10000xi32, #tpu.memory_space<hbm>>
      %dma_wait3A_83 = arith.constant 0 : i32
      %dma_wait3A_84 = tpu.memref_slice %arg4[%mul3A_76, %dma_wait3A_83] : memref<64x10000xi32, #tpu.memory_space<hbm>> -> memref<2x10000xi32, #tpu.memory_space<hbm>>
      tpu.wait_dma2 semaphore(%run_scoped3A : memref<!tpu.dma_semaphore, #tpu.memory_space<semaphore_mem>>) src(%arg5 : memref<2x10000xi32, #tpu.memory_space<vmem>>) dst(%dma_wait3A_84 : memref<2x10000xi32, #tpu.memory_space<hbm>>)
      tpu.yield
    }) : () -> ()
    return
  }
}

module attributes {stable_mosaic.version = 14 : i64} {
  func.func @_tc_body(%arg0: memref<64x10000xi32, #tpu.memory_space<vmem>>, %arg1: memref<10000x128xf32, #tpu.memory_space<vmem>>, %arg2: memref<4x128x128xf32, #tpu.memory_space<vmem>>, %arg3: memref<128x128xf32, #tpu.memory_space<vmem>>, %arg4: memref<1x128xf32, #tpu.memory_space<vmem>>, %arg5: memref<1x128xf32, #tpu.memory_space<vmem>>) attributes {dimension_semantics = [], scalar_prefetch = 0 : i64, scratch_operands = 0 : i64, tpu.core_type = #tpu.core_type<tc>} {
    %get3A = arith.constant 0 : index
    %get3A_0 = arith.constant 0 : index
    %get3A_1 = vector.load %arg0[%get3A, %get3A_0] : memref<64x10000xi32, #tpu.memory_space<vmem>>, vector<64x10000xi32>
    %and3A = arith.constant 65535 : i32
    %and3A_2 = vector.broadcast %and3A : i32 to vector<64x10000xi32>
    %and3A_3 = arith.andi %get3A_1, %and3A_2 : vector<64x10000xi32>
    %convert_element_type3A = arith.sitofp %and3A_3 : vector<64x10000xi32> to vector<64x10000xf32>
    %shift_right_arithmetic3A = arith.constant 16 : i32
    %shift_right_arithmetic3A_4 = vector.broadcast %shift_right_arithmetic3A : i32 to vector<64x10000xi32>
    %shift_right_arithmetic3A_5 = arith.shrsi %get3A_1, %shift_right_arithmetic3A_4 : vector<64x10000xi32>
    %convert_element_type3A_6 = arith.sitofp %shift_right_arithmetic3A_5 : vector<64x10000xi32> to vector<64x10000xf32>
    %iota3A = tpu.iota {dimensions = array<i32: 1>} : vector<2x64xi32>
    %iota3A_7 = tpu.iota {dimensions = array<i32: 0>} : vector<2x64xi32>
    %jit3A = arith.constant 2 : i32
    %eq3A = arith.constant 0 : i32
    %eq3A_8 = arith.cmpi eq, %jit3A, %eq3A : i32
    %jit3A_9 = arith.constant 1 : i32
    %select_n3A = arith.select %eq3A_8, %jit3A_9, %jit3A : i32
    %rem3A = vector.broadcast %select_n3A : i32 to vector<2x64xi32>
    %rem3A_10 = arith.remsi %iota3A, %rem3A : vector<2x64xi32>
    %ne3A = arith.constant 0 : i32
    %ne3A_11 = vector.broadcast %ne3A : i32 to vector<2x64xi32>
    %ne3A_12 = arith.cmpi ne, %rem3A_10, %ne3A_11 : vector<2x64xi32>
    %lt3A = arith.constant 0 : i32
    %lt3A_13 = vector.broadcast %lt3A : i32 to vector<2x64xi32>
    %lt3A_14 = arith.cmpi slt, %rem3A_10, %lt3A_13 : vector<2x64xi32>
    %lt3A_15 = arith.constant 0 : i32
    %lt3A_16 = arith.cmpi slt, %select_n3A, %lt3A_15 : i32
    %ne3A_17 = vector.broadcast %lt3A_16 : i1 to vector<2x64xi1>
    %ne3A_18 = vector.broadcast %ne3A_17 : vector<2x64xi1> to vector<2x64xi1>
    %ne3A_19 = arith.xori %lt3A_14, %ne3A_18 : vector<2x64xi1>
    %and3A_20 = arith.andi %ne3A_19, %ne3A_12 : vector<2x64xi1>
    %add3A = vector.broadcast %select_n3A : i32 to vector<2x64xi32>
    %add3A_21 = arith.addi %rem3A_10, %add3A : vector<2x64xi32>
    %select_n3A_22 = arith.select %and3A_20, %add3A_21, %rem3A_10 : vector<2x64xi1>, vector<2x64xi32>
    %eq3A_23 = arith.cmpi eq, %select_n3A_22, %iota3A_7 : vector<2x64xi32>
    %convert_element_type3A_24 = arith.extui %eq3A_23 : vector<2x64xi1> to vector<2x64xi32>
    %convert_element_type3A_25 = arith.sitofp %convert_element_type3A_24 : vector<2x64xi32> to vector<2x64xf32>
    %dot_general3A = arith.constant dense<0.000000e+00> : vector<2x10000xf32>
    %dot_general3A_26 = tpu.matmul %convert_element_type3A_25, %convert_element_type3A, %dot_general3A {dimension_numbers = #tpu.dot_dimension_numbers<[1], [0], [0], [1], [0, 0, 1, 1], [], []>, transpose_lhs_hint = false} : vector<2x64xf32>, vector<64x10000xf32>, vector<2x10000xf32> -> vector<2x10000xf32>
    %dot_general3A_27 = arith.constant dense<0.000000e+00> : vector<2x10000xf32>
    %dot_general3A_28 = tpu.matmul %convert_element_type3A_25, %convert_element_type3A_6, %dot_general3A_27 {dimension_numbers = #tpu.dot_dimension_numbers<[1], [0], [0], [1], [0, 0, 1, 1], [], []>, transpose_lhs_hint = false} : vector<2x64xf32>, vector<64x10000xf32>, vector<2x10000xf32> -> vector<2x10000xf32>
    %concatenate3A = tpu.concatenate %dot_general3A_26, %dot_general3A_28 in 0 : vector<2x10000xf32>, vector<2x10000xf32> -> vector<4x10000xf32>
    %get3A_29 = arith.constant 0 : index
    %get3A_30 = arith.constant 0 : index
    %get3A_31 = vector.load %arg1[%get3A_29, %get3A_30] : memref<10000x128xf32, #tpu.memory_space<vmem>>, vector<10000x128xf32>
    %dot_general3A_32 = arith.constant dense<0.000000e+00> : vector<4x128xf32>
    %dot_general3A_33 = tpu.matmul %concatenate3A, %get3A_31, %dot_general3A_32 {dimension_numbers = #tpu.dot_dimension_numbers<[1], [0], [0], [1], [0, 0, 1, 1], [], []>, transpose_lhs_hint = false} : vector<4x10000xf32>, vector<10000x128xf32>, vector<4x128xf32> -> vector<4x128xf32>
    %reduce_sum3A = arith.constant dense<0.000000e+00> : vector<128xf32>
    %reduce_sum3A_34 = vector.multi_reduction <add>, %get3A_31, %reduce_sum3A [0] : vector<10000x128xf32> to vector<128xf32>
    %broadcast_in_dim3A = vector.shape_cast %reduce_sum3A_34 : vector<128xf32> to vector<1x128xf32>
    %get3A_35 = arith.constant 0 : index
    %get3A_36 = arith.constant 0 : index
    %get3A_37 = vector.load %arg3[%get3A_35, %get3A_36] : memref<128x128xf32, #tpu.memory_space<vmem>>, vector<128x128xf32>
    %dot_general3A_38 = arith.constant dense<0.000000e+00> : vector<1x128xf32>
    %dot_general3A_39 = tpu.matmul %broadcast_in_dim3A, %get3A_37, %dot_general3A_38 {dimension_numbers = #tpu.dot_dimension_numbers<[1], [0], [0], [1], [0, 0, 1, 1], [], []>, transpose_lhs_hint = false} : vector<1x128xf32>, vector<128x128xf32>, vector<1x128xf32> -> vector<1x128xf32>
    %slice3A = vector.extract_strided_slice %dot_general3A_33 {offsets = [0, 0], sizes = [1, 128], strides = [1, 1]} : vector<4x128xf32> to vector<1x128xf32>
    %get3A_40 = arith.constant 0 : index
    %get3A_41 = arith.constant 0 : index
    %get3A_42 = arith.constant 0 : index
    %get3A_43 = vector.load %arg2[%get3A_40, %get3A_41, %get3A_42] : memref<4x128x128xf32, #tpu.memory_space<vmem>>, vector<1x128x128xf32>
    %get3A_44 = vector.shape_cast %get3A_43 : vector<1x128x128xf32> to vector<128x128xf32>
    %dot_general3A_45 = arith.constant dense<0.000000e+00> : vector<1x128xf32>
    %dot_general3A_46 = tpu.matmul %slice3A, %get3A_44, %dot_general3A_45 {dimension_numbers = #tpu.dot_dimension_numbers<[1], [0], [0], [1], [0, 0, 1, 1], [], []>, transpose_lhs_hint = false} : vector<1x128xf32>, vector<128x128xf32>, vector<1x128xf32> -> vector<1x128xf32>
    %add3A_47 = arith.addf %dot_general3A_39, %dot_general3A_46 : vector<1x128xf32>
    %slice3A_48 = vector.extract_strided_slice %dot_general3A_33 {offsets = [1, 0], sizes = [1, 128], strides = [1, 1]} : vector<4x128xf32> to vector<1x128xf32>
    %get3A_49 = arith.constant 1 : index
    %get3A_50 = arith.constant 0 : index
    %get3A_51 = arith.constant 0 : index
    %get3A_52 = vector.load %arg2[%get3A_49, %get3A_50, %get3A_51] : memref<4x128x128xf32, #tpu.memory_space<vmem>>, vector<1x128x128xf32>
    %get3A_53 = vector.shape_cast %get3A_52 : vector<1x128x128xf32> to vector<128x128xf32>
    %dot_general3A_54 = arith.constant dense<0.000000e+00> : vector<1x128xf32>
    %dot_general3A_55 = tpu.matmul %slice3A_48, %get3A_53, %dot_general3A_54 {dimension_numbers = #tpu.dot_dimension_numbers<[1], [0], [0], [1], [0, 0, 1, 1], [], []>, transpose_lhs_hint = false} : vector<1x128xf32>, vector<128x128xf32>, vector<1x128xf32> -> vector<1x128xf32>
    %add3A_56 = arith.addf %add3A_47, %dot_general3A_55 : vector<1x128xf32>
    %slice3A_57 = vector.extract_strided_slice %dot_general3A_33 {offsets = [2, 0], sizes = [1, 128], strides = [1, 1]} : vector<4x128xf32> to vector<1x128xf32>
    %get3A_58 = arith.constant 2 : index
    %get3A_59 = arith.constant 0 : index
    %get3A_60 = arith.constant 0 : index
    %get3A_61 = vector.load %arg2[%get3A_58, %get3A_59, %get3A_60] : memref<4x128x128xf32, #tpu.memory_space<vmem>>, vector<1x128x128xf32>
    %get3A_62 = vector.shape_cast %get3A_61 : vector<1x128x128xf32> to vector<128x128xf32>
    %dot_general3A_63 = arith.constant dense<0.000000e+00> : vector<1x128xf32>
    %dot_general3A_64 = tpu.matmul %slice3A_57, %get3A_62, %dot_general3A_63 {dimension_numbers = #tpu.dot_dimension_numbers<[1], [0], [0], [1], [0, 0, 1, 1], [], []>, transpose_lhs_hint = false} : vector<1x128xf32>, vector<128x128xf32>, vector<1x128xf32> -> vector<1x128xf32>
    %add3A_65 = arith.addf %add3A_56, %dot_general3A_64 : vector<1x128xf32>
    %slice3A_66 = vector.extract_strided_slice %dot_general3A_33 {offsets = [3, 0], sizes = [1, 128], strides = [1, 1]} : vector<4x128xf32> to vector<1x128xf32>
    %get3A_67 = arith.constant 3 : index
    %get3A_68 = arith.constant 0 : index
    %get3A_69 = arith.constant 0 : index
    %get3A_70 = vector.load %arg2[%get3A_67, %get3A_68, %get3A_69] : memref<4x128x128xf32, #tpu.memory_space<vmem>>, vector<1x128x128xf32>
    %get3A_71 = vector.shape_cast %get3A_70 : vector<1x128x128xf32> to vector<128x128xf32>
    %dot_general3A_72 = arith.constant dense<0.000000e+00> : vector<1x128xf32>
    %dot_general3A_73 = tpu.matmul %slice3A_66, %get3A_71, %dot_general3A_72 {dimension_numbers = #tpu.dot_dimension_numbers<[1], [0], [0], [1], [0, 0, 1, 1], [], []>, transpose_lhs_hint = false} : vector<1x128xf32>, vector<128x128xf32>, vector<1x128xf32> -> vector<1x128xf32>
    %add3A_74 = arith.addf %add3A_65, %dot_general3A_73 : vector<1x128xf32>
    %mul3A = arith.constant 9.99999974E-5 : f32
    %mul3A_75 = vector.broadcast %mul3A : f32 to vector<1x128xf32>
    %mul3A_76 = arith.mulf %add3A_74, %mul3A_75 : vector<1x128xf32>
    %get3A_77 = arith.constant 0 : index
    %get3A_78 = arith.constant 0 : index
    %get3A_79 = vector.load %arg4[%get3A_77, %get3A_78] : memref<1x128xf32, #tpu.memory_space<vmem>>, vector<1x128xf32>
    %add3A_80 = arith.addf %mul3A_76, %get3A_79 : vector<1x128xf32>
    %swap3A = arith.constant 0 : index
    %swap3A_81 = arith.constant 0 : index
    %swap3A_82 = vector.load %arg5[%swap3A, %swap3A_81] : memref<1x128xf32, #tpu.memory_space<vmem>>, vector<1x128xf32>
    tpu.vector_store %arg5[%swap3A, %swap3A_81], %add3A_80 {strides = array<i32>} : memref<1x128xf32, #tpu.memory_space<vmem>>, vector<1x128xf32>,
    return
  }
}

</mosaic_0001>

<sc_bundles>
// kernel: kernel.4.cloned.1.call-start
scs
__scs_entry_jumppad:
0x0: {  	(pc) =	sbr.rel $0x88, $3  }
0x1: {  	(tag) =	ssettag $0x0;
	lr =	simm.s32 $0x1  }
0x2: {  	[smem:$0x3F9B] =	sst lr;
	_ =	strace $0xD0000000  }
0x3: {  	_ = 	snop  }
0x4: {  	_ = 	snop  }
0x5: {  	_ = 	snop  }
0x6: {  	_ = 	snop  }
0x7: {  	_ = 	snop  }
__scs_overlays_trampoline_lowered:
0x8: {  	[smem:$0x3FAA] =	sst s0  }
0x9: {  	[smem:$0x3FAB] =	sst s1  }
0xa: {  	[smem:$0x3FAC] =	sst s2  }
0xb: {  	[smem:$0x3FAD] =	sst s3  }
0xc: {  	[smem:$0x3FAE] =	sst s4  }
0xd: {  	[smem:$0x3FAF] =	sst s5  }
0xe: {  	[smem:$0x3FB0] =	sst s6  }
0xf: {  	[smem:$0x3FB1] =	sst s7  }
0x10: {  	[smem:$0x3FB2] =	sst s8  }
0x11: {  	[smem:$0x3FB3] =	sst s9;
	s0 =	simm.s32 @!p0 $0x0  }
0x12: {  	s1 =	sld [smem:$0x3F99];
	s0 =	simm.s32 @p0 $0x1  }
0x13: {  	[smem:$0x3FB4] =	sst s0;
	s0 =	simm.s32 @!p1 $0x0  }
0x14: {  	s2 =	sld [smem:$0x3F98];
	s0 =	simm.s32 @p1 $0x1  }
0x15: {  	[smem:$0x3FB5] =	sst s0;
	s0 =	simm.s32 @!p2 $0x0  }
0x16: {  	s3 =	sld [smem:$0x3FDB];
	s0 =	simm.s32 @p2 $0x1  }
0x17: {  	s4 =	simm.s32 $0x1BF5;
	[smem:$0x3FB7] =	sst s0  }
0x18: {  	s0 =	sld [smem:$0x3F9A];
	_ =	swait.ge [sflag:s4], $0x0  }
0x19: {  	s7 =	sld [smem:$0x3F9B]  }
0x1a: {  	s8 =	sadd.s32 $0xFFFFE003, lr  }
0x1b: {  	s9 =	sadd.s32 $0xFFFFFEF7, lr;
	s5 =	simm.s32 $0xFFFFFFFF;
	p2 =	slt.u32 s8, $0xFFFFF086  }
0x1c: {  	p1 =	slt.u32 s9, $0xF7A;
	s5 =	simm.s32 @!p2 $0x0  }
0x1d: {  	s5 =	simm.s32 @p1 $0x1;
	p0 =	seq.s32 s7, s2  }
0x1e: {  	s7 =	smul.u32 @!p0 $0xF7A, s2;
	p2 =	seq.s32 @!p0 s5, $0x0  }
0x1f: {  	s9 =	smul.u32 $0xF7A, s1;
	s8 =	simm.s32 @!p0 $0x1BF5;
	p2 =	por !p2, p0  }
0x20: {  	[sflag:s8] =	ssyncset.s32 @!p0 $0xFFFFF086;
	s6 =	sadd.s32 @!p0 s3, s7;
	s7 =	simm.s32 @!p0 $0x108  }
0x21: {  	s3 =	sadd.s32 s3, s9;
	s6 =	sadd.s32 @!p0 $0x88, s6;
	s7 =	simm.s32 @p2 $0x1082  }
0x22: {  	[simem:s7], [sflag:s8] =	dma.local @!p0 [hbm:s6], $0xF7A  }
0x23: {  	s9 =	sor.u32 $0xD0000000, s2;
	s6 =	simm.s32 $0x108;
	_ =	swait.ge @!p0 [sflag:s8], $0x0  }
0x24: {  	s3 =	sadd.s32 $0x88, s3;
	s6 =	simm.s32 @!p1 $0x1082;
	[sflag:s4] =	ssyncset.s32 $0xFFFFF086  }
0x25: {  	[simem:s6], [sflag:s4] =	dma.local [hbm:s3], $0xF7A  }
0x26: {  	[smem:$0x3F9B] =	sst s1;
	(tag) =	ssettag s2;
	_ =	strace s9  }
0x27: {  	s1 =	sld [smem:$0x3FAB]  }
0x28: {  	s2 =	sld [smem:$0x3FAC]  }
0x29: {  	s4 =	sld [smem:$0x3FAE]  }
0x2a: {  	p0 =	seq.s32 s5, $0x0;
	s5 =	sld [smem:$0x3FAF]  }
0x2b: {  	s6 =	sld [smem:$0x3FB0]  }
0x2c: {  	s7 =	sld [smem:$0x3FB1]  }
0x2d: {  	s3 =	simm.s32 $0x108;
	s8 =	sld [smem:$0x3FB2]  }
0x2e: {  	s3 =	simm.s32 @!p0 $0x1082;
	s9 =	sld [smem:$0x3FB3]  }
0x2f: {  	lr =	sadd.s32 s0, s3;
	s0 =	sld [smem:$0x3FAA]  }
0x30: {  	s3 =	sld [smem:$0x3FAD]  }
0x31: {  	[smem:$0x3FB6] =	sst s10  }
0x32: {  	s10 =	sld [smem:$0x3FB4];
	_ =	sdelay $0x3  }
0x33: {  	p0 =	seq.s32 s10, $0x1;
	s10 =	sld [smem:$0x3FB6];
	_ =	sdelay $0x3  }
0x34: {  	[smem:$0x3FB6] =	sst s10  }
0x35: {  	s10 =	sld [smem:$0x3FB5];
	_ =	sdelay $0x3  }
0x36: {  	p1 =	seq.s32 s10, $0x1;
	s10 =	sld [smem:$0x3FB6];
	_ =	sdelay $0x3  }
0x37: {  	[smem:$0x3FB6] =	sst s10  }
0x38: {  	s10 =	sld [smem:$0x3FB7]  }
0x39: {  	_ = 	snop;
	(pc) =	sbr.ind lr, $3  }
0x3a: {  	_ = 	snop  }
0x3b: {  	_ = 	snop  }
0x3c: {  	p2 =	seq.s32 s10, $0x1;
	s10 =	sld [smem:$0x3FB6]  }
0x3d: {  	_ =	shalt  }
0x3e: {  	_ =	shalt  }
0x3f: {  	_ =	shalt  }
0x40: {  	_ =	shalt  }
0x41: {  	_ =	shalt  }
0x42: {  	_ =	shalt  }
0x43: {  	_ =	shalt  }
0x44: {  	_ =	shalt  }
0x45: {  	_ =	shalt  }
0x46: {  	_ =	shalt  }
0x47: {  	_ =	shalt  }
0x48: {  	_ =	shalt  }
0x49: {  	_ =	shalt  }
0x4a: {  	_ =	shalt  }
0x4b: {  	_ =	shalt  }
0x4c: {  	_ =	shalt  }
0x4d: {  	_ =	shalt  }
0x4e: {  	_ =	shalt  }
0x4f: {  	_ =	shalt  }
0x50: {  	_ =	shalt  }
0x51: {  	_ =	shalt  }
0x52: {  	_ =	shalt  }
0x53: {  	_ =	shalt  }
0x54: {  	_ =	shalt  }
0x55: {  	_ =	shalt  }
0x56: {  	_ =	shalt  }
0x57: {  	_ =	shalt  }
0x58: {  	_ =	shalt  }
0x59: {  	_ =	shalt  }
0x5a: {  	_ =	shalt  }
0x5b: {  	_ =	shalt  }
0x5c: {  	_ =	shalt  }
0x5d: {  	_ =	shalt  }
0x5e: {  	_ =	shalt  }
0x5f: {  	_ =	shalt  }
0x60: {  	_ =	shalt  }
0x61: {  	_ =	shalt  }
0x62: {  	_ =	shalt  }
0x63: {  	_ =	shalt  }
0x64: {  	_ =	shalt  }
0x65: {  	_ =	shalt  }
0x66: {  	_ =	shalt  }
0x67: {  	_ =	shalt  }
0x68: {  	_ =	shalt  }
0x69: {  	_ =	shalt  }
0x6a: {  	_ =	shalt  }
0x6b: {  	_ =	shalt  }
0x6c: {  	_ =	shalt  }
0x6d: {  	_ =	shalt  }
0x6e: {  	_ =	shalt  }
0x6f: {  	_ =	shalt  }
0x70: {  	_ =	shalt  }
0x71: {  	_ =	shalt  }
0x72: {  	_ =	shalt  }
0x73: {  	_ =	shalt  }
0x74: {  	_ =	shalt  }
0x75: {  	_ =	shalt  }
0x76: {  	_ =	shalt  }
0x77: {  	_ =	shalt  }
0x78: {  	_ =	shalt  }
0x79: {  	_ =	shalt  }
0x7a: {  	_ =	shalt  }
0x7b: {  	_ =	shalt  }
0x7c: {  	_ =	shalt  }
0x7d: {  	_ =	shalt  }
0x7e: {  	_ =	shalt  }
0x7f: {  	_ =	shalt  }
0x80: {  	_ =	shalt  }
0x81: {  	_ =	shalt  }
0x82: {  	_ =	shalt  }
0x83: {  	_ =	shalt  }
0x84: {  	_ =	shalt  }
0x85: {  	_ =	shalt  }
0x86: {  	_ =	shalt  }
0x87: {  	_ =	shalt  }
.Lfunc_end0:
.L_simem_size_0:
called_computation_lowered:
.L_overlay_start_0:
0x88: {  	s2 =	sld [smem:$0x3FD9]  }
0x89: {  	s3 =	sld [smem:$0x3FFE];
	_ =	sdelay $0x1  }
0x8a: {  	s1 =	srdreg.scid  }
0x8b: {  	s0 =	sand.u32 $0x1, s1  }
0x8c: {  	s17 =	sshll.u32 s0, $0xA;
	s2 =	sadd.s32 s3, s2  }
0x8d: {  	s2 =	sadd.s32 s2, s17  }
0x8e: {  	[smem:$0x3FC2] =	sst s2  }
0x8f: {  	_ = 	snop  }
0x90: {  	s2 =	sld [smem:$0x3FC8]  }
0x91: {  	s18 =	sld [smem:$0x3FC7];
	(tm) =	ssettm $0x1  }
0x92: {  	s4 =	sld [smem:$0x3FFB];
	_ =	sdelay $0x3  }
0x93: {  	_ =	strace s4  }
0x94: {  	s4 =	sld [smem:$0x3FFC];
	_ =	sdelay $0x3  }
0x95: {  	_ =	strace s4  }
0x96: {  	s4 =	sld [smem:$0x3FFD];
	_ =	sdelay $0x3  }
0x97: {  	_ =	strace s4  }
0x98: {  	_ =	strace $0x8FFFFFFF  }
0x99: {  	s19 =	sld [smem:$0x3FDB];
	_ =	sdelay $0x1  }
0x9a: {  	s5 =	simm.s32 $_scs_section_size  }
0x9b: {  	s6 =	simm.s32 $_size__tile_overlayer_lowered;
	s7 =	simm.s32 $_tile_overlayer_lowered  }
0x9c: {  	s22 =	simm.s32 $0x1BFF;
	s21 =	sshll.u32 s7, $0x1;
	s4 =	sadd.s32 s5, s19  }
0x9d: {  	s8 =	simm.s32 $0x0;
	s20 =	sshll.u32 s6, $0x1;
	s6 =	sadd.s32 s21, s4  }
0x9e: {  	[timem:s8], [sflag:s22] =	dma.local [hbm:s6], s20  }
0x9f: {  	_ =	swait.ge [sflag:s22], s20  }
0xa0: {  	s5 =	ssub.s32 $0x0, s20;
	[sflag:s22] =	ssyncset.done $0x0  }
0xa1: {  	[sflag:s22] =	ssyncadd.s32 s5;
	_ =	sdelay $0x1  }
0xa2: {  	s23 =	simm.s32 $0x1B8B  }
0xa3: {  	_ =	swait.ge [sflag:s23], $0x1  }
0xa4: {  	[sflag:s23] =	ssyncset.done $0x0  }
0xa5: {  	s25 =	simm.s32 $0x1B8E;
	s24 =	sld [smem:$0x3FFE];
	[sflag:s23] =	ssyncadd.s32 $0xFFFFFFFF  }
0xa6: {  	s26 =	simm.s32 $execute0_lowered;
	[smem:$0x3FD2] =	sst s25  }
0xa7: {  	s6 =	sshll.u32 s26, $0x1;
	_ =	strace $0x80000046;
	[dreg:$0x1] =	wrdreg $0xFFFFFFFF  }
0xa8: {  	s28 =	simm.s32 $_size_execute0_lowered;
	s4 =	sadd.s32 s4, s6;
	[dreg:$0x0] =	wrdreg $0x0  }
0xa9: {  	s6 =	sshll.u32 s28, $0x1;
	[dreg:$0x2] =	wrdreg s4  }
0xaa: {  	[dreg:$0x3] =	wrdreg s6  }
0xab: {  	[dreg:$0x4] =	wrdreg $0xC0  }
0xac: {  	_ =	task [dreg:s8], $0x5FFFF  }
0xad: {  	[dreg:$0x1] =	wrdreg $0xFFFFFFFF  }
0xae: {  	[dreg:$0x0] =	wrdreg $0x60  }
0xaf: {  	[dreg:$0x2] =	wrdreg s2  }
0xb0: {  	[dreg:$0x3] =	wrdreg s18  }
0xb1: {  	[dreg:$0x4] =	wrdreg s24  }
0xb2: {  	[dreg:$0x5] =	wrdreg $0x9  }
0xb3: {  	_ =	task.clear_ibuf [dreg:s8], $0x6FFFF;
	_ =	strace $0x90000046  }
0xb4: {  	s29 =	simm.s32 $0x9;
	_ =	strace $0x80000048  }
0xb5: {  	_ =	swait.ge [sflag:s29], $0x1  }
0xb6: {  	[sflag:s29] =	ssyncadd.s32 $0xFFFFFFFF  }
0xb7: {  	_ =	strace $0x90000048  }
0xb8: {  	_ =	sfence  }
0xb9: {  	s30 =	sld [smem:$0x0];
	_ =	sdelay $0x2  }
0xba: {  	s31 =	sshll.u32 s1, $0xD;
	s1 =	sshrl.u32 s1, $0x2  }
0xbb: {  	s3 =	sand.u32 $0x4000, s31;
	s1 =	sadd.s32 s1, s30  }
0xbc: {  	s0 =	sor.u32 s3, s0;
	s1 =	sshll.u32 s1, $0x11  }
0xbd: {  	s0 =	sor.u32 s1, s0  }
0xbe: {  	s0 =	sadd.s32 $0x8F2B, s0  }
0xbf: {  	[sflag:s0] =	ssyncadd.remote.s32 $0x1  }
0xc0: {  	_ =	sfence.sel $0xFFFF  }
0xc1: {  	[dreg:$0x0] =	wrdreg $0xFFFFFFFF;
	(pc) =	sbr.abs _section_cstart, $3  }
0xc2: {  	[dreg:$0x1] =	wrdreg $0xFFFFFFFF  }
0xc3: {  	_ =	task.clear_ibuf [dreg:s8], $0x2FFFF;
	_ =	strace $0x9FFFFFFF  }
0xc4: {  	(tm) =	ssettm $0x7FFFFFFF  }
0xc5: {  	_ =	shalt  }
tec
execute0_lowered:
.L_overlay_start_1:
0x0: {  	(tag) =	ssettag $0x1  }
0x1: {  	s0 =	srdreg.scid  }
0x2: {  	s5 =	stileid.u32;
	s1 =	rddreg [dreg:$0x0]  }
0x3: {  	s3 =	rddreg [dreg:$0x1];
	s0 =	sand.u32 $0x1, s0;
	s2 =	sshll.u32 s5, $0x1  }
0x4: {  	s25 =	rddreg [dreg:$0x2];
	s24 =	sshrl.u32 s5, $0x1;
	s4 =	sor.u32 s0, s2  }
0x5: {  	s6 =	smul.u32 $0x13C00, s24;
	s2 =	simm.s32 $0x0;
	s0 =	ssub.s32 $0x2, s0  }
0x6: {  	s7 =	sshll.u32 s4, $0x8;
	[smem:$0x7FF] =	sst s2;
	s4 =	smul.u32 $0x9C4, s4  }
0x7: {  	s26 =	sshrl.u32 s0, $0x1;
	s7 =	sand.u32 $0x300, s7;
	_ =	strace $0x80000047  }
0x8: {  	s0 =	ssub.s32 s0, s26;
	s6 =	sor.u32 s6, s7;
	s28 =	sshrl.u32 s4, $0x5  }
0x9: {  	s29 =	sadd.s32 $0x9C4, s4;
	s8 =	sshrl.u32 s4, $0x1;
	s4 =	sand.u32 $0x1FFE0, s4  }
0xa: {  	s0 =	smax.u32 s0, $0x1;
	s6 =	sshrl.u32 s6, $0x3;
	s7 =	sshrl.u32 s29, $0x5  }
0xb: {  	s8 =	sand.u32 $0xFFF0, s8;
	s1 =	sadd.s32 s1, s4;
	[dreg:$0x7] =	wrdreg s0  }
.Ltmp0:
0xc: {  	s6 =	sadd.s32 s6, s25;
	s7 =	ssub.s32 s7, s28;
	(pc) =	sbr.rel .LBB2_1-.Ltmp0, $4  }
0xd: {  	[dreg:$0x4] =	wrdreg s1;
	s30 =	sadd.s32 s3, s8;
	p0 =	slt.s32 s7, $0x1  }
0xe: {  	[dreg:$0x5] =	wrdreg s30;
	s31 =	sadd.s32 $0x1400, s6;
	s0 =	simm.s32 @!p0 $0x0  }
0xf: {  	[dreg:$0x6] =	wrdreg s31;
	s0 =	simm.s32 @p0 $0x1  }
0x10: {  	v0 =	vimm.s32 $0x0;
	v1 =	vimm.s32 $0x1;
	s18 =	simm.s32 $0x0;
	s5 =	sshll.u32 s7, $0x7;
	[smem:$0x7FD] =	sst s0  }
.LBB2_5:
0x11: {  	p0 =	por $0x0, $0x0  }
0x12: {  	s0 =	simm.s32 @!p0 $0x0  }
0x13: {  	s0 =	simm.s32 @p0 $0x1  }
0x14: {  	s16 =	simm.s32 $0x9E40;
	s9 =	simm.s32 $0x4F40;
	[smem:$0x7FA] =	sst s0  }
.LBB2_24:
0x15: {  	s28 =	sld [smem:$0x7FC];
	_ =	sdelay $0x2  }
0x16: {  	p0 =	seq.s32 s28, $0x1  }
0x17: {  	s28 =	simm.s32 @!p0 $0x0  }
0x18: {  	s28 =	simm.s32 @p0 $0x1  }
0x19: {  	[smem:$0x7FC] =	sst s28  }
0x1a: {  	s28 =	sld [smem:$0x7FB];
	_ =	sdelay $0x2  }
0x1b: {  	v48 =	vld @p0 [tilespmem:s8+$0x20];
	p6 =	seq.s32 s28, $0x1  }
0x1c: {  	v49 =	vshll.u32 @p6 v42, $0x1  }
0x1d: {  	v42 =	vand.u32 @p6 $0x7F, v42;
	v50 =	vshll.u32 @p6 v44, $0x7;
	v49 =	vand.u32 @p6 $0xFFFFFF00, v49  }
0x1e: {  	v50 =	vand.u32 @p6 $0x80, v50;
	v42 =	vor.u32 @p6 v42, v49  }
0x1f: {  	vm8 =	vgt.s32 v3, $0x1;
	v49 =	vshll.u32 @p0 v45, $0x1;
	v42 =	vor.u32 @p6 v50, v42  }
0x20: {  	v45 =	vand.u32 @p0 $0x7F, v45;
	v49 =	vand.u32 @p0 $0xFFFFFF00, v49;
	v50 =	vshll.u32 @p0 v48, $0x7  }
0x21: {  	vm0 =	vgt.s32 @p6 v44, $0x1;
	v45 =	vor.u32 @p0 v45, v49;
	v44 =	vand.u32 @p0 $0x80, v50  }
0x22: {  	v56 =	vsel vm8, $0x10000, v1;
	v44 =	vor.u32 @p0 v44, v45;
	v45 =	vld @p5 [tilespmem:s0+$0xFFFFFFF0]  }
0x23: {  	[tilespmem:v21+s2+$0x0] =	vst.idx.add.s32.msk $0xffff, v56;
	v49 =	vsel @p6 vm0, $0x10000, v1  }
0x24: {  	[tilespmem:v42+s2+$0x0] =	vst.idx.add.s32.msk @p6 $0xffff, v49  }
0x25: {  	vm0 =	vgt.s32 @p0 v48, $0x1;
	v42 =	vld @p6 [tilespmem:s13+$0x10]  }
0x26: {  	v48 =	vsel @p0 vm0, $0x10000, v1;
	v49 =	vld @p6 [tilespmem:s4+$0x10]  }
0x27: {  	v40 =	vand.u32 @p5 $0x7F, v40;
	v46 =	vand.u32 @p5 $0xFFFFFF00, v46;
	[tilespmem:v44+s2+$0x0] =	vst.idx.add.s32.msk @p0 $0xffff, v48;
	v44 =	vshll.u32 @p5 v45, $0x7  }
0x28: {  	v3 =	vor.u32 @p5 v40, v46;
	[tilespmem:v24+s2+$0x0] =	vst.idx.add.s32.msk @p3 $0xffff, v35;
	v40 =	vand.u32 @p5 $0x80, v44  }
0x29: {  	s28 =	sld [smem:$0x7FA];
	v3 =	vor.u32 @p5 v40, v3  }
0x2a: {  	v57 =	vld [tilespmem:s16+$0xFFFFFFD0];
	v40 =	vshll.u32 @p6 v42, $0x1  }
0x2b: {  	v48 =	vld @p0 [tilespmem:s11+$0x30];
	v21 =	vand.u32 @p6 $0x7F, v42;
	v42 =	vshll.u32 @p6 v49, $0x7;
	v40 =	vand.u32 @p6 $0xFFFFFF00, v40  }
0x2c: {  	vm0 =	vgt.s32 @p5 v45, $0x1;
	v44 =	vld @p0 [tilespmem:s8+$0x30];
	p0 =	seq.s32 s28, $0x1;
	v42 =	vand.u32 @p6 $0x80, v42;
	v21 =	vor.u32 @p6 v21, v40  }
0x2d: {  	s11 =	smov.u32 @p5 s7;
	s7 =	simm.s32 @!p0 $0x0;
	v40 =	vld @p2 [tilespmem:s15+$0xFFFFFFD0];
	v21 =	vor.u32 @p6 v42, v21;
	v42 =	vsel @p5 vm0, $0x10000, v1  }
0x2e: {  	s7 =	simm.s32 @p0 $0x1;
	[tilespmem:v3+s2+$0x0] =	vst.idx.add.s32.msk @p5 $0xffff, v42  }
0x2f: {  	v35 =	vld @p3 [tilespmem:s6+$0xFFFFFFE0];
	vm0 =	vgt.s32 @p0 v31, $0x1;
	v31 =	vor.u32 @p0 v36, v39;
	[smem:$0x7FA] =	sst s7  }
0x30: {  	v38 =	vor.u32 @p4 v41, v38;
	vm1 =	vgt.s32 @p6 v49, $0x1;
	s28 =	smov.u32 s15;
	s15 =	smov.u32 @p6 s13;
	s13 =	smov.u32 @p5 s0;
	v3 =	vor.u32 @p0 v43, v31;
	v31 =	vld @p5 [tilespmem:s11+$0x0]  }
0x31: {  	v20 =	vpsel p1, v9, v20;
	v36 =	vshll.u32 @p4 v25, $0x7;
	v39 =	vsel @p6 vm1, $0x10000, v1;
	v42 =	vld @p5 [tilespmem:s13+$0x0]  }
0x32: {  	v22 =	vpsel p1, v2, v22;
	v20 =	vpsel p1, v20, v10;
	s0 =	smov.u32 s17;
	v36 =	vand.u32 @p4 $0x80, v36;
	[tilespmem:v21+s2+$0x0] =	vst.idx.add.s32.msk @p6 $0xffff, v39  }
0x33: {  	s0 =	smov.u32 @p6 s4;
	v36 =	vor.u32 @p4 v36, v38;
	v41 =	vshll.u32 @p2 v40, $0x1;
	v38 =	vand.u32 @p2 $0x7F, v40;
	v40 =	vld @p6 [tilespmem:s15+$0x20]  }
0x34: {  	v58 =	vshll.u32 v57, $0x7;
	vm9 =	vgt.s32 v57, $0x1;
	v39 =	vand.u32 @p2 $0xFFFFFF00, v41;
	v41 =	vld @p6 [tilespmem:s0+$0x20];
	s8 =	sld [smem:$0x7FC]  }
0x35: {  	v21 =	vsel @p0 vm0, $0x10000, v1;
	vm0 =	vgt.s32 @p4 v25, $0x1;
	v38 =	vor.u32 @p2 v38, v39  }
0x36: {  	v39 =	vsel @p4 vm0, $0x10000, v1;
	v38 =	vor.u32 @p2 v47, v38;
	v29 =	vpsel p5, v42, v29  }
0x37: {  	v27 =	vpsel p5, v31, v27;
	v26 =	vpsel p2, v38, v26;
	p0 =	seq.s32 s8, $0x1;
	v42 =	vshll.u32 @p5 v29, $0x7  }
0x38: {  	v45 =	vshll.u32 @p0 v48, $0x1;
	v46 =	vshll.u32 @p0 v44, $0x7;
	v31 =	vpsel p6, v40, v34  }
0x39: {  	[tilespmem:v36+s2+$0x0] =	vst.idx.add.s32.msk @p4 $0xffff, v39;
	v34 =	vshll.u32 @p5 v27, $0x1;
	v40 =	vshll.u32 @p6 v41, $0x7;
	v36 =	vshll.u32 @p6 v31, $0x1  }
0x3a: {  	v27 =	vand.u32 @p5 $0x7F, v27;
	v31 =	vand.u32 @p6 $0x7F, v31;
	v36 =	vand.u32 @p6 $0xFFFFFF00, v36  }
0x3b: {  	s4 =	smov.u32 @p3 s10;
	v40 =	vand.u32 @p6 $0x80, v40;
	v34 =	vand.u32 @p5 $0xFFFFFF00, v34;
	v31 =	vor.u32 @p6 v31, v36  }
0x3c: {  	v42 =	vand.u32 @p5 $0x80, v42;
	v27 =	vor.u32 @p5 v27, v34;
	v36 =	vld @p3 [tilespmem:s4+$0xFFFFFFE0];
	v31 =	vor.u32 @p6 v40, v31  }
0x3d: {  	s7 =	smov.u32 @p4 s12;
	v60 =	vld [tilespmem:s9+$0xFFFFFFD0];
	s8 =	smov.u32 s22;
	v45 =	vand.u32 @p0 $0xFFFFFF00, v45;
	vm0 =	vgt.s32 @p6 v41, $0x1;
	v27 =	vor.u32 @p5 v42, v27  }
0x3e: {  	v39 =	vld @p4 [tilespmem:s7+$0xFFFFFFF0];
	s8 =	smov.u32 @p4 s3;
	v34 =	vand.u32 @p0 $0x80, v46;
	v46 =	vsel @p6 vm0, $0x10000, v1;
	vm0 =	vgt.s32 @p5 v29, $0x1;
	v29 =	vmovc @p2 v37  }
0x3f: {  	v41 =	vpsel p0, v44, v0;
	v44 =	vpsel p0, v45, v0;
	v45 =	vld @p4 [tilespmem:s8+$0xFFFFFFF0];
	v11 =	vpsel p2, v29, v11  }
0x40: {  	v59 =	vand.u32 $0x80, v58;
	v47 =	vshll.u32 @p3 v35, $0x1;
	v35 =	vand.u32 @p3 $0x7F, v35;
	[tilespmem:v26+s2+$0x0] =	vst.idx.add.s32.msk @p2 $0xffff, v11  }
0x41: {  	s3 =	smov.u32 s19;
	v40 =	vand.u32 @p3 $0xFFFFFF00, v47;
	v23 =	vpsel p3, v36, v23;
	v36 =	vsel @p5 vm0, $0x10000, v1;
	[tilespmem:v31+s2+$0x0] =	vst.idx.add.s32.msk @p6 $0xffff, v46  }
0x42: {  	s10 =	smov.u32 s21;
	s3 =	smov.u32 @p6 s15;
	v30 =	vpsel p3, v40, v30;
	v31 =	vpsel p3, v35, v32;
	v35 =	vshll.u32 @p3 v23, $0x7;
	[tilespmem:v27+s2+$0x0] =	vst.idx.add.s32.msk @p5 $0xffff, v36  }
0x43: {  	v24 =	vsel vm9, $0x10000, v1;
	s10 =	smov.u32 @p5 s11;
	s11 =	smov.u32 s20;
	v32 =	vld @p6 [tilespmem:s3+$0x30];
	v35 =	vand.u32 @p3 $0x80, v35;
	v30 =	vor.u32 @p3 v31, v30  }
0x44: {  	s11 =	smov.u32 @p5 s13;
	v61 =	vshll.u32 v60, $0x1;
	v42 =	vshll.u32 @p4 v39, $0x1;
	v29 =	vor.u32 @p3 v35, v30;
	v30 =	vld @p5 [tilespmem:s10+$0x10]  }
0x45: {  	v62 =	vand.u32 $0x7F, v60;
	v9 =	vpsel p4, v39, v28;
	v28 =	vpsel p4, v42, v33;
	s3 =	smov.u32 @p1 s29;
	v31 =	vld @p5 [tilespmem:s11+$0x10]  }
0x46: {  	v9 =	vand.u32 @p4 $0x7F, v9;
	v28 =	vand.u32 @p4 $0xFFFFFF00, v28;
	v33 =	vld @p6 [tilespmem:s0+$0x30];
	s0 =	smov.u32 @p2 s28;
	s26 =	smov.u32 @p1 s3;
	v35 =	vshll.u32 @p4 v45, $0x7  }
0x47: {  	v9 =	vor.u32 @p4 v9, v28;
	vm0 =	vgt.s32 @p3 v23, $0x1;
	s30 =	smov.u32 @p2 s0;
	s3 =	smov.u32 s24;
	s0 =	rddreg [dreg:$0x9];
	v36 =	vld @p1 [tilespmem:s26+$0xFFFFFFD0];
	v23 =	vand.u32 @p4 $0x80, v35  }
0x48: {  	v43 =	vand.u32 @p0 $0x7F, v48;
	v28 =	vpsel p0, v34, v0;
	s3 =	smov.u32 @p3 s6;
	s6 =	smov.u32 @p2 s0;
	s0 =	smov.u32 @p2 s30;
	v9 =	vor.u32 @p4 v23, v9  }
0x49: {  	vm1 =	vgt.s32 @p4 v45, $0x1;
	v11 =	vsel @p3 vm0, $0x10000, v1;
	v26 =	vld @p2 [tilespmem:s0+$0xFFFFFFE0];
	v2 =	vshll.u32 @p5 v30, $0x1  }
0x4a: {  	v23 =	vshll.u32 @p5 v31, $0x7;
	[tilespmem:v29+s2+$0x0] =	vst.idx.add.s32.msk @p3 $0xffff, v11;
	v11 =	vand.u32 @p5 $0x7F, v30;
	v2 =	vand.u32 @p5 $0xFFFFFF00, v2  }
0x4b: {  	vm0 =	vgt.s32 @p0 v41, $0x1;
	s1 =	smov.u32 @p2 s6;
	v23 =	vand.u32 @p5 $0x80, v23;
	v2 =	vor.u32 @p5 v11, v2  }
0x4c: {  	s6 =	smov.u32 s23;
	v34 =	vld @p2 [tilespmem:s1+$0xFFFFFFE0];
	v30 =	vsel @p4 vm1, $0x10000, v1;
	v29 =	vshll.u32 @p1 v36, $0x1;
	v23 =	vor.u32 @p5 v23, v2  }
0x4d: {  	v27 =	vpsel p0, v43, v0;
	s6 =	smov.u32 @p4 s7;
	v29 =	vand.u32 @p1 $0xFFFFFF00, v29;
	[tilespmem:v9+s2+$0x0] =	vst.idx.add.s32.msk @p4 $0xffff, v30;
	v9 =	vsel @p0 vm0, $0x10000, v1  }
0x4e: {  	s13 =	smov.u32 @p4 s6;
	vm0 =	vgt.s32 @p5 v31, $0x1;
	v30 =	vshll.u32 @p6 v33, $0x7;
	v2 =	vor.u32 @p0 v27, v44  }
0x4f: {  	s12 =	smov.u32 @p4 s8;
	v31 =	vshll.u32 @p2 v26, $0x1;
	v27 =	vand.u32 @p1 $0x7F, v36;
	v2 =	vor.u32 @p0 v28, v2;
	v28 =	vld @p4 [tilespmem:s13+$0x0]  }
0x50: {  	v26 =	vand.u32 @p2 $0x7F, v26;
	v35 =	vsel @p5 vm0, $0x10000, v1;
	v27 =	vor.u32 @p1 v27, v29;
	v29 =	vld @p4 [tilespmem:s12+$0x0]  }
0x51: {  	v31 =	vand.u32 @p2 $0xFFFFFF00, v31;
	v12 =	vpsel p2, v34, v12;
	v18 =	vpsel p2, v26, v18;
	[tilespmem:v23+s2+$0x0] =	vst.idx.add.s32.msk @p5 $0xffff, v35  }
0x52: {  	s6 =	smov.u32 @p5 s11;
	v22 =	vor.u32 @p1 v22, v27;
	v27 =	vand.u32 @p6 $0x7F, v32;
	v32 =	vshll.u32 @p6 v32, $0x1;
	v35 =	vld @p5 [tilespmem:s10+$0x20]  }
0x53: {  	s7 =	smov.u32 @p5 s6;
	v16 =	vpsel p2, v31, v16;
	v26 =	vshll.u32 @p2 v12, $0x7;
	v32 =	vand.u32 @p6 $0xFFFFFF00, v32  }
0x54: {  	v27 =	vpsel p6, v27, v0;
	v15 =	vpsel p1, v22, v15;
	v14 =	vpsel p4, v28, v14;
	v28 =	vld @p5 [tilespmem:s7+$0x20]  }
0x55: {  	s6 =	smov.u32 s25;
	v23 =	vand.u32 @p6 $0x80, v30;
	v17 =	vpsel p4, v29, v17;
	v10 =	vshll.u32 @p4 v14, $0x1  }
0x56: {  	s6 =	smov.u32 @p3 s4;
	v11 =	vld @p3 [tilespmem:s3+$0xFFFFFFF0];
	v14 =	vand.u32 @p4 $0x7F, v14;
	v22 =	vshll.u32 @p4 v17, $0x7;
	v10 =	vand.u32 @p4 $0xFFFFFF00, v10  }
0x57: {  	s8 =	smov.u32 s20;
	s4 =	smov.u32 @p3 s6;
	v22 =	vand.u32 @p4 $0x80, v22;
	v10 =	vor.u32 @p4 v14, v10;
	v29 =	vpsel p5, v35, v0  }
0x58: {  	s8 =	smov.u32 @p3 s4;
	s4 =	smov.u32 s17;
	v14 =	vpsel p6, v23, v0;
	v10 =	vor.u32 @p4 v22, v10;
	v22 =	vshll.u32 @p5 v29, $0x1  }
0x59: {  	s4 =	smov.u32 @p4 s12;
	s12 =	smov.u32 @p1 s26;
	v34 =	vshll.u32 @p5 v28, $0x7;
	v23 =	vand.u32 @p5 $0x7F, v29;
	v29 =	vld @p3 [tilespmem:s8+$0xFFFFFFF0];
	v22 =	vand.u32 @p5 $0xFFFFFF00, v22  }
0x5a: {  	s11 =	smov.u32 @p1 s14;
	s24 =	smov.u32 @p1 s12;
	v32 =	vpsel p6, v32, v0;
	v31 =	vand.u32 @p5 $0x80, v34;
	v22 =	vor.u32 @p5 v23, v22  }
0x5b: {  	s31 =	smov.u32 @p1 s11;
	s11 =	smov.u32 @p1 s24;
	v30 =	vshll.u32 @p3 v11, $0x1;
	vm0 =	vgt.s32 @p4 v17, $0x1;
	[tilespmem:v15+s2+$0x0] =	vst.idx.add.s32.msk @p1 $0xffff, v20;
	v17 =	vor.u32 @p5 v31, v22  }
0x5c: {  	s6 =	smov.u32 s19;
	v11 =	vpsel p3, v11, v13;
	v13 =	vpsel p3, v30, v19;
	v19 =	vld @p1 [tilespmem:s11+$0xFFFFFFE0];
	v22 =	vsel @p4 vm0, $0x10000, v1  }
0x5d: {  	s6 =	smov.u32 @p4 s13;
	v11 =	vand.u32 @p3 $0x7F, v11;
	v13 =	vand.u32 @p3 $0xFFFFFF00, v13;
	v23 =	vor.u32 @p6 v27, v32;
	[tilespmem:v10+s2+$0x0] =	vst.idx.add.s32.msk @p4 $0xffff, v22  }
0x5e: {  	vm1 =	vgt.s32 @p5 v28, $0x1;
	v10 =	vor.u32 @p6 v14, v23;
	v14 =	vshll.u32 @p3 v29, $0x7;
	v22 =	vld @p4 [tilespmem:s6+$0x10]  }
0x5f: {  	v11 =	vor.u32 @p3 v11, v13;
	v27 =	vsel @p5 vm1, $0x10000, v1;
	v23 =	vld @p4 [tilespmem:s4+$0x10];
	v13 =	vand.u32 @p3 $0x80, v14  }
0x60: {  	v26 =	vand.u32 @p2 $0x80, v26;
	v16 =	vor.u32 @p2 v18, v16;
	s10 =	smov.u32 @p5 s10;
	v13 =	vor.u32 @p3 v13, v11;
	[tilespmem:v17+s2+$0x0] =	vst.idx.add.s32.msk @p5 $0xffff, v27  }
0x61: {  	v33 =	vpsel p6, v33, v0;
	v15 =	vor.u32 @p2 v26, v16;
	vm1 =	vgt.s32 @p3 v29, $0x1;
	v14 =	vld @p5 [tilespmem:s10+$0x30];
	s10 =	smov.u32 @p1 s31  }
0x62: {  	vm0 =	vgt.s32 @p6 v33, $0x1;
	v25 =	vsel @p3 vm1, $0x10000, v1;
	v17 =	vand.u32 $0xFFFFFF00, v61;
	s25 =	smov.u32 @p1 s10  }
0x63: {  	v11 =	vsel @p6 vm0, $0x10000, v1;
	v20 =	vld @p5 [tilespmem:s7+$0x30];
	s7 =	smov.u32 s21;
	v16 =	vor.u32 v62, v17;
	v18 =	vshll.u32 @p4 v22, $0x1;
	s12 =	smov.u32 @p1 s25  }
0x64: {  	v17 =	vand.u32 @p4 $0x7F, v22;
	s7 =	smov.u32 @p3 s3;
	v22 =	vshll.u32 @p4 v23, $0x7;
	v16 =	vor.u32 v59, v16;
	v26 =	vld @p1 [tilespmem:s12+$0xFFFFFFE0]  }
0x65: {  	vm0 =	vgt.s32 @p2 v12, $0x1;
	v18 =	vand.u32 @p4 $0xFFFFFF00, v18;
	s10 =	smov.u32 @p3 s7;
	v12 =	vand.u32 @p4 $0x80, v22;
	[tilespmem:v13+s2+$0x0] =	vst.idx.add.s32.msk @p3 $0xffff, v25  }
0x66: {  	s7 =	smov.u32 @p3 s8;
	v22 =	vshll.u32 @p1 v19, $0x1;
	v19 =	vand.u32 @p1 $0x7F, v19;
	v17 =	vor.u32 @p4 v17, v18;
	v18 =	vld @p3 [tilespmem:s10+$0x0]  }
0x67: {  	v13 =	vsel @p2 vm0, $0x10000, v1;
	vm0 =	vgt.s32 @p4 v23, $0x1;
	v22 =	vand.u32 @p1 $0xFFFFFF00, v22;
	v23 =	vld @p3 [tilespmem:s7+$0x0]  }
0x68: {  	v8 =	vpsel p1, v19, v8;
	v17 =	vor.u32 @p4 v12, v17;
	[tilespmem:v15+s2+$0x0] =	vst.idx.add.s32.msk @p2 $0xffff, v13;
	v15 =	vsel @p4 vm0, $0x10000, v1  }
0x69: {  	v7 =	vpsel p1, v22, v7;
	v12 =	vand.u32 @p5 $0x7F, v14;
	[tilespmem:v16+s2+$0x0] =	vst.idx.add.s32.msk $0xffff, v24;
	v6 =	vpsel p1, v26, v6  }
0x6a: {  	v14 =	vshll.u32 @p5 v14, $0x1;
	v13 =	vshll.u32 @p5 v20, $0x7;
	v63 =	vld [tilespmem:s9+$0xFFFFFFE0];
	v16 =	vshll.u32 @p1 v6, $0x7  }
0x6b: {  	s23 =	smov.u32 @p2 s0;
	v7 =	vor.u32 @p1 v8, v7;
	v28 =	vld [tilespmem:s16+$0xFFFFFFE0];
	v18 =	vpsel p3, v18, v0;
	v16 =	vand.u32 @p1 $0x80, v16  }
0x6c: {  	s8 =	smov.u32 @p2 s23;
	v23 =	vpsel p3, v23, v0;
	v24 =	vshll.u32 @p3 v18, $0x1;
	v7 =	vor.u32 @p1 v16, v7  }
0x6d: {  	s22 =	smov.u32 @p2 s1;
	v22 =	vld @p2 [tilespmem:s8+$0xFFFFFFF0];
	v16 =	vand.u32 @p3 $0x7F, v18;
	v18 =	vand.u32 @p3 $0xFFFFFF00, v24;
	v24 =	vshll.u32 @p3 v23, $0x7  }
0x6e: {  	s0 =	smov.u32 @p2 s22;
	v13 =	vand.u32 @p5 $0x80, v13;
	[tilespmem:v17+s2+$0x0] =	vst.idx.add.s32.msk @p4 $0xffff, v15;
	vm0 =	vgt.s32 @p1 v6, $0x1;
	v15 =	vand.u32 @p3 $0x80, v24  }
0x6f: {  	s17 =	smov.u32 @p2 s0;
	v16 =	vor.u32 @p3 v16, v18;
	v29 =	vshll.u32 v63, $0x1;
	v19 =	vand.u32 $0x7F, v63  }
0x70: {  	s3 =	smov.u32 @p4 s6;
	v30 =	vshll.u32 v28, $0x7;
	v6 =	vor.u32 @p3 v15, v16;
	v15 =	vld @p2 [tilespmem:s17+$0xFFFFFFF0];
	v17 =	vand.u32 $0xFFFFFF00, v29  }
0x71: {  	s21 =	smov.u32 @p1 s11;
	v18 =	vld @p4 [tilespmem:s3+$0x20];
	v16 =	vsel @p1 vm0, $0x10000, v1;
	v31 =	vand.u32 $0x80, v30;
	v32 =	vor.u32 v19, v17  }
0x72: {  	s0 =	smov.u32 @p4 s4;
	s11 =	smov.u32 @p1 s21;
	s20 =	smov.u32 @p1 s12;
	v14 =	vand.u32 @p5 $0xFFFFFF00, v14;
	v25 =	vshll.u32 @p2 v22, $0x1;
	[tilespmem:v7+s2+$0x0] =	vst.idx.add.s32.msk @p1 $0xffff, v16;
	v7 =	vor.u32 v31, v32  }
0x73: {  	s4 =	smov.u32 @p4 s0;
	s0 =	smov.u32 @p1 s20;
	v12 =	vpsel p5, v12, v0;
	v4 =	vpsel p2, v22, v4;
	v5 =	vpsel p2, v25, v5;
	v17 =	vld @p1 [tilespmem:s11+$0xFFFFFFF0]  }
0x74: {  	s12 =	smov.u32 @p1 s0;
	v4 =	vand.u32 @p2 $0x7F, v4;
	v5 =	vand.u32 @p2 $0xFFFFFF00, v5;
	vm0 =	vgt.s32 @p3 v23, $0x1;
	v16 =	vld @p4 [tilespmem:s4+$0x20]  }
0x75: {  	vm10 =	vgt.s32 v28, $0x1;
	v19 =	vsel @p3 vm0, $0x10000, v1;
	v23 =	vld @p1 [tilespmem:s12+$0xFFFFFFF0];
	v22 =	vshll.u32 @p2 v15, $0x7  }
0x76: {  	v4 =	vor.u32 @p2 v4, v5;
	v33 =	vsel vm10, $0x10000, v1;
	[tilespmem:v6+s2+$0x0] =	vst.idx.add.s32.msk @p3 $0xffff, v19;
	v5 =	vand.u32 @p2 $0x80, v22  }
0x77: {  	v6 =	vpsel p4, v18, v0;
	vm0 =	vgt.s32 @p2 v15, $0x1;
	v4 =	vor.u32 @p2 v5, v4;
	[tilespmem:v7+s2+$0x0] =	vst.idx.add.s32.msk $0xffff, v33  }
0x78: {  	v18 =	vand.u32 @p4 $0x7F, v6;
	v6 =	vshll.u32 @p4 v6, $0x1;
	v19 =	vshll.u32 @p1 v17, $0x1;
	v34 =	vld [tilespmem:s9+$0xFFFFFFF0]  }
0x79: {  	s1 =	smov.u32 @p3 s10;
	v24 =	vsel @p2 vm0, $0x10000, v1;
	v5 =	vpsel p1, v17, v0;
	v35 =	vld [tilespmem:s16+$0xFFFFFFF0];
	v7 =	vpsel p1, v19, v0  }
0x7a: {  	s0 =	smov.u32 @p3 s7;
	v8 =	vld @p3 [tilespmem:s1+$0x10];
	v17 =	vshll.u32 @p1 v23, $0x7;
	v5 =	vand.u32 @p1 $0x7F, v5;
	v7 =	vand.u32 @p1 $0xFFFFFF00, v7  }
0x7b: {  	v22 =	vld @p3 [tilespmem:s0+$0x10];
	v6 =	vand.u32 @p4 $0xFFFFFF00, v6;
	v5 =	vor.u32 @p1 v5, v7;
	v7 =	vand.u32 @p1 $0x80, v17  }
0x7c: {  	s19 =	smov.u32 @p2 s8;
	v6 =	vor.u32 @p4 v18, v6;
	v17 =	vshll.u32 @p4 v16, $0x7;
	[tilespmem:v4+s2+$0x0] =	vst.idx.add.s32.msk @p2 $0xffff, v24;
	v4 =	vor.u32 @p1 v7, v5  }
0x7d: {  	s6 =	smov.u32 @p2 s19;
	vm0 =	vgt.s32 @p1 v23, $0x1;
	v7 =	vand.u32 @p4 $0x80, v17;
	v36 =	vshll.u32 v34, $0x1  }
0x7e: {  	s10 =	smov.u32 @p2 s17;
	v17 =	vld @p2 [tilespmem:s6+$0x0];
	v37 =	vshll.u32 v35, $0x7;
	v15 =	vand.u32 $0x7F, v34;
	v18 =	vand.u32 $0xFFFFFF00, v36  }
0x7f: {  	v6 =	vor.u32 @p4 v7, v6;
	v7 =	vld @p2 [tilespmem:s10+$0x0];
	v38 =	vand.u32 $0x80, v37;
	v15 =	vor.u32 v15, v18  }
0x80: {  	v23 =	vsel @p1 vm0, $0x10000, v1;
	vm0 =	vgt.s32 @p4 v16, $0x1;
	v39 =	vor.u32 v38, v15  }
0x81: {  	s7 =	smov.u32 @p1 s11;
	vm1 =	vgt.s32 @p3 v22, $0x1;
	v16 =	vshll.u32 @p3 v8, $0x1;
	v8 =	vand.u32 @p3 $0x7F, v8;
	[tilespmem:v4+s2+$0x0] =	vst.idx.add.s32.msk @p1 $0xffff, v23  }
0x82: {  	s8 =	smov.u32 @p1 s12;
	v5 =	vpsel p5, v20, v0;
	v16 =	vand.u32 @p3 $0xFFFFFF00, v16;
	v20 =	vshll.u32 @p3 v22, $0x7;
	v18 =	vld @p1 [tilespmem:s7+$0x0]  }
0x83: {  	vm11 =	vgt.s32 v35, $0x1;
	v20 =	vand.u32 @p3 $0x80, v20;
	v17 =	vpsel p2, v17, v0;
	v23 =	vld @p1 [tilespmem:s8+$0x0]  }
0x84: {  	v40 =	vsel vm11, $0x10000, v1;
	v7 =	vpsel p2, v7, v0;
	v24 =	vshll.u32 @p2 v17, $0x1  }
0x85: {  	v17 =	vand.u32 @p2 $0x7F, v17;
	v19 =	vand.u32 @p2 $0xFFFFFF00, v24;
	v24 =	vshll.u32 @p2 v7, $0x7;
	[tilespmem:v39+s2+$0x0] =	vst.idx.add.s32.msk $0xffff, v40  }
0x86: {  	v15 =	vsel @p4 vm0, $0x10000, v1;
	v24 =	vand.u32 @p2 $0x80, v24;
	v17 =	vor.u32 @p2 v17, v19;
	v41 =	vld [tilespmem:s9+$0x0]  }
0x87: {  	v4 =	vor.u32 @p3 v8, v16;
	v8 =	vor.u32 @p2 v24, v17;
	v42 =	vld [tilespmem:s16+$0x0];
	v16 =	vpsel p1, v18, v0  }
0x88: {  	v4 =	vor.u32 @p3 v20, v4;
	v18 =	vpsel p1, v23, v0;
	v19 =	vshll.u32 @p1 v16, $0x1  }
0x89: {  	s3 =	smov.u32 @p4 s3;
	[tilespmem:v6+s2+$0x0] =	vst.idx.add.s32.msk @p4 $0xffff, v15;
	v6 =	vand.u32 @p1 $0x7F, v16;
	v16 =	vshll.u32 @p1 v18, $0x7;
	v15 =	vand.u32 @p1 $0xFFFFFF00, v19  }
0x8a: {  	vm0 =	vgt.s32 @p2 v7, $0x1;
	v19 =	vld @p4 [tilespmem:s3+$0x30];
	v7 =	vand.u32 @p1 $0x80, v16;
	v6 =	vor.u32 @p1 v6, v15  }
0x8b: {  	v16 =	vsel @p2 vm0, $0x10000, v1;
	v15 =	vld @p4 [tilespmem:s4+$0x30];
	v6 =	vor.u32 @p1 v7, v6;
	v43 =	vshll.u32 v41, $0x1  }
0x8c: {  	s3 =	smov.u32 @p2 s6;
	[tilespmem:v8+s2+$0x0] =	vst.idx.add.s32.msk @p2 $0xffff, v16;
	v17 =	vand.u32 $0x7F, v41;
	v44 =	vshll.u32 v42, $0x7;
	v8 =	vand.u32 $0xFFFFFF00, v43  }
0x8d: {  	vm0 =	vgt.s32 @p1 v18, $0x1;
	s4 =	smov.u32 @p2 s10;
	v16 =	vld @p2 [tilespmem:s3+$0x10];
	v45 =	vand.u32 $0x80, v44;
	v8 =	vor.u32 v17, v8  }
0x8e: {  	v7 =	vpsel p5, v14, v0;
	v14 =	vsel @p3 vm1, $0x10000, v1;
	v23 =	vld @p2 [tilespmem:s4+$0x10];
	v8 =	vor.u32 v45, v8  }
0x8f: {  	v13 =	vpsel p5, v13, v0;
	vm12 =	vgt.s32 v42, $0x1;
	[tilespmem:v4+s2+$0x0] =	vst.idx.add.s32.msk @p3 $0xffff, v14;
	v4 =	vsel @p1 vm0, $0x10000, v1  }
0x90: {  	s6 =	smov.u32 @p1 s7;
	vm0 =	vgt.s32 @p5 v5, $0x1;
	v5 =	vor.u32 @p5 v12, v7;
	v46 =	vsel vm12, $0x10000, v1;
	[tilespmem:v6+s2+$0x0] =	vst.idx.add.s32.msk @p1 $0xffff, v4  }
0x91: {  	s7 =	smov.u32 @p1 s8;
	v20 =	vshll.u32 @p4 v15, $0x7;
	v15 =	vpsel p4, v15, v0;
	v4 =	vor.u32 @p5 v13, v5;
	v7 =	vld @p1 [tilespmem:s6+$0x10]  }
0x92: {  	v5 =	vsel @p5 vm0, $0x10000, v1;
	v6 =	vand.u32 @p4 $0x7F, v19;
	v13 =	vshll.u32 @p2 v16, $0x1;
	v14 =	vld @p1 [tilespmem:s7+$0x10]  }
0x93: {  	v12 =	vand.u32 @p2 $0x7F, v16;
	v17 =	vshll.u32 @p2 v23, $0x7;
	v13 =	vand.u32 @p2 $0xFFFFFF00, v13;
	[tilespmem:v8+s2+$0x0] =	vst.idx.add.s32.msk $0xffff, v46  }
0x94: {  	vm0 =	vgt.s32 @p2 v23, $0x1;
	v17 =	vand.u32 @p2 $0x80, v17;
	v12 =	vor.u32 @p2 v12, v13;
	v47 =	vld [tilespmem:s9+$0x10]  }
0x95: {  	v22 =	vsel @p2 vm0, $0x10000, v1;
	v6 =	vpsel p4, v6, v0;
	v12 =	vor.u32 @p2 v17, v12;
	v48 =	vld [tilespmem:s16+$0x10]  }
0x96: {  	v16 =	vld @p3 [tilespmem:s1+$0x20];
	v13 =	vand.u32 @p4 $0x80, v20;
	v8 =	vshll.u32 @p4 v19, $0x1;
	v18 =	vshll.u32 @p1 v7, $0x1  }
0x97: {  	v7 =	vand.u32 @p1 $0x7F, v7;
	v20 =	vshll.u32 @p1 v14, $0x7;
	v18 =	vand.u32 @p1 $0xFFFFFF00, v18  }
0x98: {  	s0 =	smov.u32 @p3 s0;
	v8 =	vand.u32 @p4 $0xFFFFFF00, v8;
	v20 =	vand.u32 @p1 $0x80, v20;
	v7 =	vor.u32 @p1 v7, v18  }
0x99: {  	v8 =	vpsel p4, v8, v0;
	v18 =	vld @p3 [tilespmem:s0+$0x20];
	v7 =	vor.u32 @p1 v20, v7;
	v49 =	vshll.u32 v47, $0x1  }
0x9a: {  	s8 =	smov.u32 @p2 s3;
	[tilespmem:v12+s2+$0x0] =	vst.idx.add.s32.msk @p2 $0xffff, v22;
	v17 =	vand.u32 $0x7F, v47;
	v50 =	vshll.u32 v48, $0x7;
	v12 =	vand.u32 $0xFFFFFF00, v49  }
0x9b: {  	s3 =	smov.u32 @p2 s4;
	v16 =	vpsel p3, v16, v0;
	v20 =	vld @p2 [tilespmem:s8+$0x20];
	v51 =	vand.u32 $0x80, v50;
	v12 =	vor.u32 v17, v12  }
0x9c: {  	s3 =	smov.u32 @p2 s3;
	vm0 =	vgt.s32 @p1 v14, $0x1;
	v14 =	vand.u32 @p3 $0x7F, v16;
	v12 =	vor.u32 v51, v12  }
0x9d: {  	v23 =	vsel @p1 vm0, $0x10000, v1;
	v22 =	vld @p2 [tilespmem:s3+$0x20];
	vm13 =	vgt.s32 v48, $0x1;
	v17 =	vshll.u32 @p3 v16, $0x1  }
0x9e: {  	s4 =	smov.u32 @p1 s6;
	s6 =	smov.u32 @p1 s7;
	v19 =	vsel vm13, $0x10000, v1;
	v16 =	vand.u32 @p3 $0xFFFFFF00, v17;
	v17 =	vshll.u32 @p3 v18, $0x7;
	[tilespmem:v7+s2+$0x0] =	vst.idx.add.s32.msk @p1 $0xffff, v23  }
0x9f: {  	s6 =	smov.u32 @p1 s6;
	v14 =	vor.u32 @p3 v14, v16;
	v7 =	vpsel p4, v13, v0;
	v13 =	vand.u32 @p3 $0x80, v17;
	v16 =	vld @p1 [tilespmem:s4+$0x20]  }
0xa0: {  	vm0 =	vgt.s32 @p3 v18, $0x1;
	v13 =	vor.u32 @p3 v13, v14;
	v14 =	vpsel p2, v20, v0;
	v17 =	vld @p1 [tilespmem:s6+$0x20]  }
0xa1: {  	v6 =	vor.u32 @p4 v6, v8;
	v18 =	vsel @p3 vm0, $0x10000, v1;
	v8 =	vshll.u32 @p2 v14, $0x1;
	[tilespmem:v12+s2+$0x0] =	vst.idx.add.s32.msk $0xffff, v19  }
0xa2: {  	v20 =	vshll.u32 @p2 v22, $0x7;
	v14 =	vand.u32 @p2 $0x7F, v14;
	v8 =	vand.u32 @p2 $0xFFFFFF00, v8;
	v52 =	vld [tilespmem:s9+$0x20]  }
0xa3: {  	vm0 =	vgt.s32 @p4 v15, $0x1;
	v12 =	vand.u32 @p2 $0x80, v20;
	v8 =	vor.u32 @p2 v14, v8;
	v53 =	vld [tilespmem:s16+$0x20]  }
0xa4: {  	vm1 =	vgt.s32 @p2 v22, $0x1;
	v8 =	vor.u32 @p2 v12, v8;
	v12 =	vpsel p1, v16, v0  }
0xa5: {  	v6 =	vor.u32 @p4 v7, v6;
	v15 =	vshll.u32 @p1 v17, $0x7;
	v7 =	vshll.u32 @p1 v12, $0x1  }
0xa6: {  	s1 =	smov.u32 @p3 s1;
	[tilespmem:v13+s2+$0x0] =	vst.idx.add.s32.msk @p3 $0xffff, v18;
	v12 =	vand.u32 @p1 $0x7F, v12;
	v15 =	vand.u32 @p1 $0x80, v15;
	v7 =	vand.u32 @p1 $0xFFFFFF00, v7  }
0xa7: {  	v13 =	vld @p3 [tilespmem:s1+$0x30];
	v7 =	vor.u32 @p1 v12, v7;
	v12 =	vsel @p2 vm1, $0x10000, v1;
	v54 =	vshll.u32 v52, $0x1  }
0xa8: {  	v18 =	vld @p3 [tilespmem:s0+$0x30];
	v55 =	vand.u32 $0x7F, v52;
	v57 =	vshll.u32 v53, $0x7;
	v56 =	vand.u32 $0xFFFFFF00, v54  }
0xa9: {  	v7 =	vor.u32 @p1 v15, v7;
	[tilespmem:v8+s2+$0x0] =	vst.idx.add.s32.msk @p2 $0xffff, v12;
	v14 =	vand.u32 $0x80, v57;
	v8 =	vor.u32 v55, v56  }
0xaa: {  	v8 =	vor.u32 v14, v8  }
0xab: {  	s0 =	smov.u32 @p2 s8  }
0xac: {  	v19 =	vsel @p4 vm0, $0x10000, v1;
	vm0 =	vgt.s32 @p1 v17, $0x1;
	vm14 =	vgt.s32 v53, $0x1;
	v15 =	vld @p2 [tilespmem:s0+$0x30]  }
0xad: {  	v17 =	vsel @p1 vm0, $0x10000, v1;
	v58 =	vsel vm14, $0x10000, v1;
	v12 =	vld @p2 [tilespmem:s3+$0x30]  }
0xae: {  	v20 =	vand.u32 @p3 $0x7F, v13;
	v13 =	vshll.u32 @p3 v13, $0x1;
	v14 =	vshll.u32 @p3 v18, $0x7;
	[tilespmem:v7+s2+$0x0] =	vst.idx.add.s32.msk @p1 $0xffff, v17  }
0xaf: {  	s0 =	smov.u32 @p1 s4;
	v14 =	vand.u32 @p3 $0x80, v14;
	v13 =	vand.u32 @p3 $0xFFFFFF00, v13;
	[tilespmem:v8+s2+$0x0] =	vst.idx.add.s32.msk $0xffff, v58  }
0xb0: {  	v18 =	vpsel p3, v18, v0;
	v13 =	vpsel p3, v13, v0;
	v14 =	vpsel p3, v14, v0;
	v7 =	vld @p1 [tilespmem:s0+$0x30];
	s30 =	sld [smem:$0x7FA]  }
0xb1: {  	v17 =	vpsel p3, v20, v0;
	v16 =	vld @p1 [tilespmem:s6+$0x30];
	v20 =	vshll.u32 @p2 v15, $0x1;
	v15 =	vand.u32 @p2 $0x7F, v15  }
0xb2: {  	v23 =	vshll.u32 @p2 v12, $0x7;
	v13 =	vor.u32 @p3 v17, v13;
	v20 =	vand.u32 @p2 $0xFFFFFF00, v20;
	v8 =	vld [tilespmem:s9+$0x30]  }
0xb3: {  	p0 =	por p4, p4;
	p4 =	por p5, p5;
	v22 =	vand.u32 @p2 $0x80, v23;
	v15 =	vpsel p2, v15, v0;
	v20 =	vpsel p2, v20, v0;
	v59 =	vld [tilespmem:s16+$0x30];
	p5 =	seq.s32 s30, $0x1  }
0xb4: {  	v17 =	vpsel p2, v22, v0;
	v15 =	vor.u32 @p2 v15, v20;
	[tilespmem:v3+s2+$0x0] =	vst.idx.add.s32.msk @p5 $0xffff, v21  }
0xb5: {  	v13 =	vor.u32 @p3 v14, v13;
	v14 =	vor.u32 @p2 v17, v15;
	v15 =	vshll.u32 @p1 v7, $0x1;
	s31 =	sld [smem:$0x7FC]  }
0xb6: {  	v7 =	vand.u32 @p1 $0x7F, v7;
	v17 =	vshll.u32 @p1 v16, $0x7;
	v15 =	vand.u32 @p1 $0xFFFFFF00, v15  }
0xb7: {  	v17 =	vand.u32 @p1 $0x80, v17;
	v7 =	vpsel p1, v7, v0;
	v15 =	vpsel p1, v15, v0  }
0xb8: {  	v3 =	vpsel p1, v17, v0;
	v60 =	vshll.u32 v8, $0x1;
	v61 =	vshll.u32 v59, $0x7;
	p5 =	seq.s32 s31, $0x1  }
0xb9: {  	v7 =	vor.u32 @p1 v7, v15;
	v62 =	vand.u32 $0xFFFFFF00, v60;
	[tilespmem:v2+s2+$0x0] =	vst.idx.add.s32.msk @p5 $0xffff, v9;
	v2 =	vand.u32 $0x7F, v8  }
0xba: {  	[tilespmem:v10+s2+$0x0] =	vst.idx.add.s32.msk @p6 $0xffff, v11;
	v63 =	vand.u32 $0x80, v61;
	v3 =	vor.u32 @p1 v3, v7;
	v2 =	vor.u32 v2, v62  }
0xbb: {  	vm0 =	vgt.s32 @p3 v18, $0x1;
	[tilespmem:v4+s2+$0x0] =	vst.idx.add.s32.msk @p4 $0xffff, v5;
	v4 =	vpsel p2, v12, v0;
	v2 =	vor.u32 v63, v2  }
0xbc: {  	[tilespmem:v6+s2+$0x0] =	vst.idx.add.s32.msk @p0 $0xffff, v19;
	v5 =	vsel @p3 vm0, $0x10000, v1;
	vm0 =	vgt.s32 @p2 v4, $0x1;
	v4 =	vpsel p1, v16, v0  }
0xbd: {  	[tilespmem:v13+s2+$0x0] =	vst.idx.add.s32.msk @p3 $0xffff, v5;
	v5 =	vsel @p2 vm0, $0x10000, v1;
	vm0 =	vgt.s32 @p1 v4, $0x1  }
0xbe: {  	vm15 =	vgt.s32 v59, $0x1;
	[tilespmem:v14+s2+$0x0] =	vst.idx.add.s32.msk @p2 $0xffff, v5;
	v4 =	vsel @p1 vm0, $0x10000, v1  }
0xbf: {  	[tilespmem:v3+s2+$0x0] =	vst.idx.add.s32.msk @p1 $0xffff, v4;
	v3 =	vsel vm15, $0x10000, v1  }
0xc0: {  	[tilespmem:v2+s2+$0x0] =	vst.idx.add.s32.msk $0xffff, v3  }
.LBB2_25:
0xc1: {  	s0 =	rddreg [dreg:$0x6]  }
0xc2: {  	s1 =	simm.s32 $0x100;
	s3 =	simm.s32 $0x400;
	s30 =	simm.s32 $0x3  }
0xc3: {  	[hbm4b:s0+s1] =	stream.strided.scatter [tilespmem:s2], [sflag:$0x3], $0x4F00, s3, s1, $0x38;
	[tilespmem:$0xC580] =	vst v63  }
0xc4: {  	_ =	swait.ge [sflag:s30], $0x4F00  }
0xc5: {  	s18 =	sadd.s32 $0x1, s18;
	s31 =	rddreg [dreg:$0x7]  }
0xc6: {  	p0 =	seq.s32 s18, s31  }
.Ltmp1:
0xc7: {  	_ = 	snop;
	(pc) =	sbr.rel @p0 .LBB2_26-.Ltmp1, $3  }
0xc8: {  	_ =	sdelay $0x1  }
0xc9: {  	[sflag:s30] =	ssyncset.done $0x0  }
0xca: {  	[sflag:s30] =	ssyncadd.s32 $0xFFFFB100  }
.LBB2_1:
0xcb: {  	s0 =	rddreg [dreg:$0x4];
	s1 =	simm.s32 $0x4F00  }
0xcc: {  	[tilespmem:s1], [sflag:$0x1] =	stream.linear.gather [hbm4b:s0+s2], $0x4F00, $0x38;
	[tilespmem:$0xC580] =	vst v63  }
0xcd: {  	s16 =	rddreg [dreg:$0x5];
	s19 =	simm.s32 $0x0;
	s0 =	simm.s32 $0x0  }
0xce: {  	s17 =	simm.s32 $0x9E00;
	s1 =	sand.u32 $0x7F00, s19;
	s3 =	sand.u32 $0x70, s0  }
0xcf: {  	[tilespmem:s17], [sflag:$0x2] =	stream.linear.gather [hbm4b:s16+s2], $0x2780, $0x38;
	[tilespmem:$0xC580] =	vst v63  }
0xd0: {  	s20 =	simm.s32 $0x10;
	s4 =	simm.s32 $0x20;
	s1 =	sor.u32 s3, s1  }
0xd1: {  	s4 =	sand.u32 $0xFF00, s4;
	s3 =	sand.u32 $0x70, s20;
	[tilespmem:s1+$0x0] =	vst v0  }
0xd2: {  	s21 =	simm.s32 $0x20;
	s6 =	simm.s32 $0x40;
	[tilespmem:s1+$0x80] =	vst v0;
	s3 =	sor.u32 s3, s4  }
0xd3: {  	s6 =	sand.u32 $0xFF00, s6;
	s4 =	sand.u32 $0x70, s21;
	[tilespmem:s3+$0x0] =	vst v0  }
0xd4: {  	s23 =	simm.s32 $0x30;
	s24 =	simm.s32 $0x60;
	[tilespmem:s3+$0x80] =	vst v0;
	s22 =	sor.u32 s4, s6  }
0xd5: {  	s4 =	sand.u32 $0x70, s23;
	s6 =	sand.u32 $0xFF00, s24;
	[tilespmem:s22+$0x0] =	vst v0  }
0xd6: {  	s26 =	simm.s32 $0x40;
	s28 =	simm.s32 $0x80;
	[tilespmem:s22+$0x80] =	vst v0;
	s25 =	sor.u32 s4, s6  }
0xd7: {  	s4 =	sand.u32 $0x70, s26;
	s6 =	sand.u32 $0xFF00, s28;
	[tilespmem:s25+$0x0] =	vst v0  }
0xd8: {  	s30 =	simm.s32 $0x50;
	s31 =	simm.s32 $0xA0;
	[tilespmem:s25+$0x80] =	vst v0;
	s29 =	sor.u32 s4, s6  }
0xd9: {  	s4 =	sand.u32 $0x70, s30;
	s6 =	sand.u32 $0xFF00, s31;
	[tilespmem:s29+$0x0] =	vst v0  }
0xda: {  	s8 =	simm.s32 $0x60;
	s9 =	simm.s32 $0xC0;
	[tilespmem:s29+$0x80] =	vst v0;
	s7 =	sor.u32 s4, s6  }
0xdb: {  	s4 =	sand.u32 $0x70, s8;
	s6 =	sand.u32 $0xFF00, s9;
	[tilespmem:s7+$0x0] =	vst v0  }
0xdc: {  	s11 =	simm.s32 $0x70;
	s12 =	simm.s32 $0xE0;
	[tilespmem:s7+$0x80] =	vst v0;
	s10 =	sor.u32 s4, s6  }
0xdd: {  	s4 =	sand.u32 $0x70, s11;
	s6 =	sand.u32 $0xFF00, s12;
	[tilespmem:s10+$0x0] =	vst v0  }
0xde: {  	[tilespmem:s10+$0x80] =	vst v0;
	s13 =	sor.u32 s4, s6  }
0xdf: {  	[tilespmem:s13+$0x0] =	vst v0  }
0xe0: {  	s14 =	simm.s32 $0x90;
	s15 =	simm.s32 $0x120;
	[tilespmem:s13+$0x80] =	vst v0  }
0xe1: {  	s3 =	sand.u32 $0x70, s14;
	s4 =	sand.u32 $0xFF00, s15;
	[tilespmem:s1+$0x100] =	vst v0  }
0xe2: {  	s16 =	simm.s32 $0xA0;
	s17 =	simm.s32 $0x140;
	s3 =	sor.u32 s3, s4;
	[tilespmem:s1+$0x180] =	vst v0  }
0xe3: {  	s6 =	sand.u32 $0xFF00, s17;
	s4 =	sand.u32 $0x70, s16;
	[tilespmem:s3+$0x0] =	vst v0  }
0xe4: {  	s20 =	simm.s32 $0xB0;
	s21 =	simm.s32 $0x160;
	s19 =	sor.u32 s4, s6;
	[tilespmem:s3+$0x80] =	vst v0  }
0xe5: {  	s4 =	sand.u32 $0x70, s20;
	s6 =	sand.u32 $0xFF00, s21;
	[tilespmem:s19+$0x0] =	vst v0  }
0xe6: {  	s23 =	simm.s32 $0xC0;
	s24 =	simm.s32 $0x180;
	s22 =	sor.u32 s4, s6;
	[tilespmem:s19+$0x80] =	vst v0  }
0xe7: {  	s4 =	sand.u32 $0x70, s23;
	s6 =	sand.u32 $0xFF00, s24;
	[tilespmem:s22+$0x0] =	vst v0  }
0xe8: {  	s26 =	simm.s32 $0xD0;
	s28 =	simm.s32 $0x1A0;
	s25 =	sor.u32 s4, s6;
	[tilespmem:s22+$0x80] =	vst v0  }
0xe9: {  	s4 =	sand.u32 $0x70, s26;
	s6 =	sand.u32 $0xFF00, s28;
	[tilespmem:s25+$0x0] =	vst v0  }
0xea: {  	s30 =	simm.s32 $0xE0;
	s31 =	simm.s32 $0x1C0;
	s29 =	sor.u32 s4, s6;
	[tilespmem:s25+$0x80] =	vst v0  }
0xeb: {  	s4 =	sand.u32 $0x70, s30;
	s6 =	sand.u32 $0xFF00, s31;
	[tilespmem:s29+$0x0] =	vst v0  }
0xec: {  	s8 =	simm.s32 $0xF0;
	s9 =	simm.s32 $0x1E0;
	s7 =	sor.u32 s4, s6;
	[tilespmem:s29+$0x80] =	vst v0  }
0xed: {  	s4 =	sand.u32 $0x70, s8;
	s6 =	sand.u32 $0xFF00, s9;
	[tilespmem:s7+$0x0] =	vst v0  }
0xee: {  	s10 =	sor.u32 s4, s6;
	[tilespmem:s7+$0x80] =	vst v0  }
0xef: {  	[tilespmem:s10+$0x0] =	vst v0  }
0xf0: {  	s11 =	simm.s32 $0x110;
	s12 =	simm.s32 $0x220;
	[tilespmem:s10+$0x80] =	vst v0  }
0xf1: {  	s3 =	sand.u32 $0x70, s11;
	s4 =	sand.u32 $0xFF00, s12;
	[tilespmem:s1+$0x200] =	vst v0  }
0xf2: {  	s14 =	simm.s32 $0x240;
	s13 =	simm.s32 $0x120;
	s3 =	sor.u32 s3, s4;
	[tilespmem:s1+$0x280] =	vst v0  }
0xf3: {  	s6 =	sand.u32 $0xFF00, s14;
	s4 =	sand.u32 $0x70, s13;
	[tilespmem:s3+$0x0] =	vst v0  }
0xf4: {  	s17 =	simm.s32 $0x260;
	s16 =	simm.s32 $0x130;
	s15 =	sor.u32 s4, s6;
	[tilespmem:s3+$0x80] =	vst v0  }
0xf5: {  	s4 =	sand.u32 $0x70, s16;
	s6 =	sand.u32 $0xFF00, s17;
	[tilespmem:s15+$0x0] =	vst v0  }
0xf6: {  	s20 =	simm.s32 $0x140;
	s21 =	simm.s32 $0x280;
	s19 =	sor.u32 s4, s6;
	[tilespmem:s15+$0x80] =	vst v0  }
0xf7: {  	s4 =	sand.u32 $0x70, s20;
	s6 =	sand.u32 $0xFF00, s21;
	[tilespmem:s19+$0x0] =	vst v0  }
0xf8: {  	s23 =	simm.s32 $0x150;
	s24 =	simm.s32 $0x2A0;
	s22 =	sor.u32 s4, s6;
	[tilespmem:s19+$0x80] =	vst v0  }
0xf9: {  	s4 =	sand.u32 $0x70, s23;
	s6 =	sand.u32 $0xFF00, s24;
	[tilespmem:s22+$0x0] =	vst v0  }
0xfa: {  	s26 =	simm.s32 $0x160;
	s28 =	simm.s32 $0x2C0;
	s25 =	sor.u32 s4, s6;
	[tilespmem:s22+$0x80] =	vst v0  }
0xfb: {  	s4 =	sand.u32 $0x70, s26;
	s6 =	sand.u32 $0xFF00, s28;
	[tilespmem:s25+$0x0] =	vst v0  }
0xfc: {  	s30 =	simm.s32 $0x170;
	s7 =	simm.s32 $0x2E0;
	s29 =	sor.u32 s4, s6;
	[tilespmem:s25+$0x80] =	vst v0  }
0xfd: {  	s31 =	sand.u32 $0xFF00, s7;
	s4 =	sand.u32 $0x70, s30;
	[tilespmem:s29+$0x0] =	vst v0  }
0xfe: {  	s4 =	sor.u32 s4, s31;
	[tilespmem:s29+$0x80] =	vst v0  }
0xff: {  	s3 =	simm.s32 $0x600;
	[tilespmem:s4+$0x0] =	vst v0  }
.LBB2_2:
0x100: {  	s6 =	sadd.s32 $0xFFFFFD20, s3;
	[tilespmem:s4+$0x80] =	vst v0;
	s4 =	smov.u32 s0;
	s0 =	sadd.s32 $0x190, s0  }
0x101: {  	s7 =	sand.u32 $0x70, s0;
	s6 =	sand.u32 $0x7F00, s6;
	p0 =	slt.u32 s0, $0x2580;
	[tilespmem:s1+$0x380] =	vst v0  }
0x102: {  	s9 =	sadd.s32 $0xFFFFFD40, s3;
	s8 =	sadd.s32 $0x1A0, s4;
	[tilespmem:s1+$0x300] =	vst v0;
	s1 =	sor.u32 s7, s6  }
0x103: {  	s6 =	sand.u32 $0x70, s8;
	s7 =	sand.u32 $0xFF00, s9;
	[tilespmem:s1+$0x0] =	vst v0  }
0x104: {  	s8 =	sadd.s32 $0xFFFFFD60, s3;
	s6 =	sor.u32 s6, s7;
	s7 =	sadd.s32 $0x1B0, s4;
	[tilespmem:s1+$0x80] =	vst v0  }
0x105: {  	s8 =	sand.u32 $0xFF00, s8;
	s7 =	sand.u32 $0x70, s7;
	[tilespmem:s6+$0x0] =	vst v0  }
0x106: {  	[tilespmem:s6+$0x80] =	vst v0;
	s6 =	sor.u32 s7, s8;
	s7 =	sadd.s32 $0x1C0, s4;
	s8 =	sadd.s32 $0xFFFFFD80, s3  }
0x107: {  	[tilespmem:s6+$0x0] =	vst v0;
	s7 =	sand.u32 $0x70, s7;
	s8 =	sand.u32 $0xFF00, s8  }
0x108: {  	[tilespmem:s6+$0x80] =	vst v0;
	s6 =	sor.u32 s7, s8;
	s7 =	sadd.s32 $0x1D0, s4;
	s8 =	sadd.s32 $0xFFFFFDA0, s3  }
0x109: {  	[tilespmem:s6+$0x0] =	vst v0;
	s7 =	sand.u32 $0x70, s7;
	s8 =	sand.u32 $0xFF00, s8  }
0x10a: {  	[tilespmem:s6+$0x80] =	vst v0;
	s6 =	sor.u32 s7, s8;
	s7 =	sadd.s32 $0x1E0, s4;
	s8 =	sadd.s32 $0xFFFFFDC0, s3  }
0x10b: {  	[tilespmem:s6+$0x0] =	vst v0;
	s7 =	sand.u32 $0x70, s7;
	s8 =	sand.u32 $0xFF00, s8  }
0x10c: {  	[tilespmem:s6+$0x80] =	vst v0;
	s6 =	sor.u32 s7, s8;
	s7 =	sadd.s32 $0x1F0, s4;
	s8 =	sadd.s32 $0xFFFFFDE0, s3  }
0x10d: {  	[tilespmem:s6+$0x0] =	vst v0;
	s7 =	sand.u32 $0x70, s7;
	s8 =	sand.u32 $0xFF00, s8  }
0x10e: {  	[tilespmem:s6+$0x80] =	vst v0;
	s6 =	sor.u32 s7, s8;
	s7 =	sadd.s32 $0x200, s4;
	s8 =	sadd.s32 $0xFFFFFE00, s3  }
0x10f: {  	[tilespmem:s6+$0x0] =	vst v0;
	s7 =	sand.u32 $0x70, s7;
	s8 =	sand.u32 $0xFF00, s8  }
0x110: {  	[tilespmem:s6+$0x80] =	vst v0;
	s6 =	sor.u32 s7, s8  }
0x111: {  	[tilespmem:s6+$0x0] =	vst v0  }
0x112: {  	s7 =	sadd.s32 $0xFFFFFE40, s3;
	[tilespmem:s6+$0x80] =	vst v0;
	s6 =	sadd.s32 $0x220, s4  }
0x113: {  	s7 =	sand.u32 $0xFF00, s7;
	[tilespmem:s1+$0x100] =	vst v0;
	s6 =	sand.u32 $0x70, s6  }
0x114: {  	s8 =	sadd.s32 $0xFFFFFE60, s3;
	[tilespmem:s1+$0x180] =	vst v0;
	s6 =	sor.u32 s6, s7;
	s7 =	sadd.s32 $0x230, s4  }
0x115: {  	s8 =	sand.u32 $0xFF00, s8;
	[tilespmem:s6+$0x0] =	vst v0;
	s7 =	sand.u32 $0x70, s7  }
0x116: {  	[tilespmem:s6+$0x80] =	vst v0;
	s6 =	sor.u32 s7, s8;
	s7 =	sadd.s32 $0x240, s4;
	s8 =	sadd.s32 $0xFFFFFE80, s3  }
0x117: {  	[tilespmem:s6+$0x0] =	vst v0;
	s7 =	sand.u32 $0x70, s7;
	s8 =	sand.u32 $0xFF00, s8  }
0x118: {  	[tilespmem:s6+$0x80] =	vst v0;
	s6 =	sor.u32 s7, s8;
	s7 =	sadd.s32 $0x250, s4;
	s8 =	sadd.s32 $0xFFFFFEA0, s3  }
0x119: {  	[tilespmem:s6+$0x0] =	vst v0;
	s7 =	sand.u32 $0x70, s7;
	s8 =	sand.u32 $0xFF00, s8  }
0x11a: {  	[tilespmem:s6+$0x80] =	vst v0;
	s6 =	sor.u32 s7, s8;
	s7 =	sadd.s32 $0x260, s4;
	s8 =	sadd.s32 $0xFFFFFEC0, s3  }
0x11b: {  	[tilespmem:s6+$0x0] =	vst v0;
	s7 =	sand.u32 $0x70, s7;
	s8 =	sand.u32 $0xFF00, s8  }
0x11c: {  	[tilespmem:s6+$0x80] =	vst v0;
	s6 =	sor.u32 s7, s8;
	s7 =	sadd.s32 $0x270, s4;
	s8 =	sadd.s32 $0xFFFFFEE0, s3  }
0x11d: {  	[tilespmem:s6+$0x0] =	vst v0;
	s7 =	sand.u32 $0x70, s7;
	s8 =	sand.u32 $0xFF00, s8  }
0x11e: {  	[tilespmem:s6+$0x80] =	vst v0;
	s6 =	sor.u32 s7, s8;
	s7 =	sadd.s32 $0x280, s4;
	s8 =	sadd.s32 $0xFFFFFF00, s3  }
0x11f: {  	[tilespmem:s6+$0x0] =	vst v0;
	s7 =	sand.u32 $0x70, s7;
	s8 =	sand.u32 $0xFF00, s8  }
0x120: {  	[tilespmem:s6+$0x80] =	vst v0;
	s6 =	sor.u32 s7, s8  }
0x121: {  	[tilespmem:s6+$0x0] =	vst v0  }
0x122: {  	s7 =	sadd.s32 $0xFFFFFF40, s3;
	[tilespmem:s6+$0x80] =	vst v0;
	s6 =	sadd.s32 $0x2A0, s4  }
0x123: {  	s7 =	sand.u32 $0xFF00, s7;
	[tilespmem:s1+$0x200] =	vst v0;
	s6 =	sand.u32 $0x70, s6  }
0x124: {  	s8 =	sadd.s32 $0xFFFFFF60, s3;
	[tilespmem:s1+$0x280] =	vst v0;
	s6 =	sor.u32 s6, s7;
	s7 =	sadd.s32 $0x2B0, s4  }
0x125: {  	s8 =	sand.u32 $0xFF00, s8;
	[tilespmem:s6+$0x0] =	vst v0;
	s7 =	sand.u32 $0x70, s7  }
0x126: {  	[tilespmem:s6+$0x80] =	vst v0;
	s6 =	sor.u32 s7, s8;
	s7 =	sadd.s32 $0x2C0, s4;
	s8 =	sadd.s32 $0xFFFFFF80, s3  }
0x127: {  	[tilespmem:s6+$0x0] =	vst v0;
	s7 =	sand.u32 $0x70, s7;
	s8 =	sand.u32 $0xFF00, s8  }
0x128: {  	[tilespmem:s6+$0x80] =	vst v0;
	s6 =	sor.u32 s7, s8;
	s7 =	sadd.s32 $0x2D0, s4;
	s8 =	sadd.s32 $0xFFFFFFA0, s3  }
0x129: {  	[tilespmem:s6+$0x0] =	vst v0;
	s7 =	sand.u32 $0x70, s7;
	s8 =	sand.u32 $0xFF00, s8  }
0x12a: {  	[tilespmem:s6+$0x80] =	vst v0;
	s6 =	sor.u32 s7, s8;
	s7 =	sadd.s32 $0x2E0, s4;
	s8 =	sadd.s32 $0xFFFFFFC0, s3  }
0x12b: {  	[tilespmem:s6+$0x0] =	vst v0;
	s7 =	sand.u32 $0x70, s7;
	s8 =	sand.u32 $0xFF00, s8  }
0x12c: {  	[tilespmem:s6+$0x80] =	vst v0;
	s6 =	sor.u32 s7, s8;
	s7 =	sadd.s32 $0x2F0, s4;
	s8 =	sadd.s32 $0xFFFFFFE0, s3  }
.Ltmp2:
0x12d: {  	[tilespmem:s6+$0x0] =	vst v0;
	s7 =	sand.u32 $0x70, s7;
	s8 =	sand.u32 $0xFF00, s8;
	(pc) =	sbr.rel @p0 .LBB2_2-.Ltmp2, $4  }
0x12e: {  	s4 =	sadd.s32 $0x300, s4;
	[tilespmem:s6+$0x80] =	vst v0;
	s6 =	sor.u32 s7, s8  }
0x12f: {  	s4 =	sand.u32 $0x70, s4;
	s7 =	sand.u32 $0xFF00, s3;
	[tilespmem:s6+$0x0] =	vst v0  }
0x130: {  	s4 =	sor.u32 s4, s7;
	[tilespmem:s6+$0x80] =	vst v0  }
0x131: {  	s3 =	sadd.s32 $0x320, s3;
	[tilespmem:s4+$0x0] =	vst v0  }
0x132: {  	[tilespmem:s4+$0x80] =	vst v0  }
0x133: {  	[tilespmem:s1+$0x380] =	vst v0  }
0x134: {  	s0 =	simm.s32 $0x1;
	[tilespmem:s1+$0x300] =	vst v0  }
0x135: {  	_ =	swait.ge [sflag:s0], $0x4F00  }
0x136: {  	[sflag:s0] =	ssyncset.done $0x0  }
0x137: {  	s30 =	simm.s32 $0x2;
	[sflag:s0] =	ssyncadd.s32 $0xFFFFB100  }
0x138: {  	_ =	swait.ge [sflag:s30], $0x2780  }
0x139: {  	s31 =	sld [smem:$0x7FD];
	_ =	sdelay $0x2  }
0x13a: {  	p0 =	seq.s32 s31, $0x1  }
.Ltmp3:
0x13b: {  	_ = 	snop;
	(pc) =	sbr.rel @p0 .LBB2_25-.Ltmp3, $3  }
0x13c: {  	_ =	sdelay $0x1  }
0x13d: {  	[sflag:s30] =	ssyncset.done $0x0  }
0x13e: {  	[sflag:s30] =	ssyncadd.s32 $0xFFFFD880  }
0x13f: {  	s19 =	simm.s32 $0x4F40  }
0x140: {  	s17 =	simm.s32 $0x9E40;
	v2 =	vld [tilespmem:s19+$0xFFFFFFC0]  }
0x141: {  	v3 =	vld [tilespmem:s17+$0xFFFFFFC0];
	_ =	sdelay $0x1  }
0x142: {  	p0 =	sgt.s32 s5, $0x80;
	p6 =	por $0x0, $0x0  }
.Ltmp4:
0x143: {  	s0 =	simm.s32 @!p6 $0x0;
	(pc) =	sbr.rel @!p0 .LBB2_5-.Ltmp4, $4  }
0x144: {  	s0 =	simm.s32 @p6 $0x1;
	p6 =	por $0x0, $0x0;
	v4 =	vshll.u32 v2, $0x1  }
0x145: {  	p1 =	por $0x0, $0x0;
	[smem:$0x7FB] =	sst s0;
	s0 =	simm.s32 @!p6 $0x0;
	v2 =	vand.u32 $0x7F, v2;
	v5 =	vshll.u32 v3, $0x7;
	v4 =	vand.u32 $0xFFFFFF00, v4  }
0x146: {  	p2 =	por $0x0, $0x0;
	p3 =	por $0x0, $0x0;
	s0 =	simm.s32 @p6 $0x1;
	v5 =	vand.u32 $0x80, v5;
	v2 =	vor.u32 v2, v4  }
0x147: {  	p4 =	por $0x0, $0x0;
	p5 =	por $0x0, $0x0;
	[smem:$0x7FC] =	sst s0;
	v21 =	vor.u32 v5, v2  }
0x148: {  	_ = 	snop  }
0x149: {  	s21 =	simm.s32 $0x5040  }
0x14a: {  	vm0 =	vgt.s32 v3, $0x1;
	s20 =	simm.s32 $0x9EC0;
	v4 =	vld [tilespmem:s21+$0xFFFFFFC0]  }
0x14b: {  	v2 =	vsel vm0, $0x10000, v1;
	v3 =	vld [tilespmem:s20+$0xFFFFFFC0]  }
0x14c: {  	[tilespmem:v21+s2+$0x0] =	vst.idx.add.s32.msk $0xffff, v2  }
0x14d: {  	v2 =	vld [tilespmem:s17+$0xFFFFFFD0]  }
0x14e: {  	p0 =	sgt.s32 s5, $0x100  }
.Ltmp5:
0x14f: {  	_ = 	snop;
	(pc) =	sbr.rel @!p0 .LBB2_7-.Ltmp5, $4  }
0x150: {  	v5 =	vshll.u32 v4, $0x1;
	v6 =	vshll.u32 v3, $0x7  }
0x151: {  	v4 =	vand.u32 $0x7F, v4;
	v5 =	vand.u32 $0xFFFFFF00, v5;
	v6 =	vand.u32 $0x80, v6  }
0x152: {  	vm15 =	vgt.s32 v2, $0x1;
	v2 =	vshll.u32 v2, $0x7;
	v4 =	vor.u32 v4, v5  }
0x153: {  	p1 =	por $0x1, $0x1;
	v2 =	vand.u32 $0x80, v2;
	v21 =	vor.u32 v6, v4;
	v9 =	vsel vm15, $0x10000, v1  }
0x154: {  	_ =	sdelay $0x1  }
0x155: {  	vm0 =	vgt.s32 v3, $0x1;
	s23 =	simm.s32 $0x5140  }
0x156: {  	v3 =	vsel vm0, $0x10000, v1;
	v5 =	vld [tilespmem:s23+$0xFFFFFFC0]  }
0x157: {  	s22 =	simm.s32 $0x9F40;
	[tilespmem:v21+s2+$0x0] =	vst.idx.add.s32.msk $0xffff, v3  }
0x158: {  	v3 =	vld [tilespmem:s22+$0xFFFFFFC0]  }
0x159: {  	v4 =	vld [tilespmem:s20+$0xFFFFFFD0];
	_ =	sdelay $0x1  }
0x15a: {  	p0 =	sgt.s32 s5, $0x180  }
.Ltmp6:
0x15b: {  	_ = 	snop;
	(pc) =	sbr.rel @!p0 .LBB2_9-.Ltmp6, $4  }
0x15c: {  	v6 =	vshll.u32 v5, $0x1;
	v5 =	vand.u32 $0x7F, v5  }
0x15d: {  	v6 =	vand.u32 $0xFFFFFF00, v6;
	v7 =	vshll.u32 v3, $0x7;
	vm15 =	vgt.s32 v4, $0x1  }
0x15e: {  	v4 =	vshll.u32 v4, $0x7;
	v7 =	vand.u32 $0x80, v7;
	v5 =	vor.u32 v5, v6  }
0x15f: {  	p2 =	por $0x1, $0x1;
	v6 =	vand.u32 $0x80, v4;
	v21 =	vor.u32 v7, v5;
	v4 =	vsel vm15, $0x10000, v1  }
0x160: {  	_ =	sdelay $0x1  }
0x161: {  	vm0 =	vgt.s32 v3, $0x1;
	v5 =	vld [tilespmem:s19+$0xFFFFFFD0];
	s24 =	simm.s32 $0x5240  }
0x162: {  	v3 =	vsel vm0, $0x10000, v1;
	v8 =	vld [tilespmem:s24+$0xFFFFFFC0]  }
0x163: {  	[tilespmem:v21+s2+$0x0] =	vst.idx.add.s32.msk $0xffff, v3  }
0x164: {  	s25 =	simm.s32 $0x9FC0;
	v7 =	vld [tilespmem:s22+$0xFFFFFFD0]  }
0x165: {  	v3 =	vld [tilespmem:s25+$0xFFFFFFC0]  }
0x166: {  	v10 =	vshll.u32 v5, $0x1  }
0x167: {  	p0 =	sgt.s32 s5, $0x200;
	v5 =	vand.u32 $0x7F, v5;
	v10 =	vand.u32 $0xFFFFFF00, v10  }
.Ltmp7:
0x168: {  	v10 =	vor.u32 v5, v10;
	(pc) =	sbr.rel @!p0 .LBB2_11-.Ltmp7, $4  }
0x169: {  	v5 =	vshll.u32 v7, $0x7;
	vm15 =	vgt.s32 v7, $0x1;
	v7 =	vshll.u32 v8, $0x1  }
0x16a: {  	v11 =	vshll.u32 v3, $0x7;
	v8 =	vand.u32 $0x7F, v8;
	v7 =	vand.u32 $0xFFFFFF00, v7  }
0x16b: {  	v24 =	vor.u32 v2, v10;
	v7 =	vor.u32 v8, v7;
	v8 =	vand.u32 $0x80, v11  }
0x16c: {  	p3 =	por $0x1, $0x1;
	v5 =	vand.u32 $0x80, v5;
	v12 =	vsel vm15, $0x10000, v1;
	v21 =	vor.u32 v8, v7  }
0x16d: {  	_ =	sdelay $0x1  }
0x16e: {  	vm0 =	vgt.s32 v3, $0x1;
	v7 =	vld [tilespmem:s21+$0xFFFFFFD0];
	s1 =	simm.s32 $0xA040  }
0x16f: {  	v2 =	vsel vm0, $0x10000, v1;
	v3 =	vld [tilespmem:s1+$0xFFFFFFC0]  }
0x170: {  	s30 =	simm.s32 $0x5340;
	[tilespmem:v21+s2+$0x0] =	vst.idx.add.s32.msk $0xffff, v2  }
0x171: {  	v2 =	vld [tilespmem:s30+$0xFFFFFFC0]  }
0x172: {  	v8 =	vld [tilespmem:s25+$0xFFFFFFD0]  }
0x173: {  	[tilespmem:v24+s2+$0x0] =	vst.idx.add.s32.msk $0xffff, v9;
	v9 =	vshll.u32 v7, $0x1  }
0x174: {  	v11 =	vld [tilespmem:s19+$0xFFFFFFE0];
	v7 =	vand.u32 $0x7F, v7;
	v9 =	vand.u32 $0xFFFFFF00, v9  }
0x175: {  	p0 =	sgt.s32 s5, $0x280;
	v7 =	vor.u32 v7, v9  }
.Ltmp8:
0x176: {  	v10 =	vshll.u32 v3, $0x7;
	v24 =	vor.u32 v6, v7;
	v6 =	vshll.u32 v2, $0x1;
	(pc) =	sbr.rel @!p0 .LBB2_13-.Ltmp8, $4  }
0x177: {  	v9 =	vshll.u32 v8, $0x7;
	v7 =	vand.u32 $0x7F, v2;
	v6 =	vand.u32 $0xFFFFFF00, v6  }
0x178: {  	v2 =	vand.u32 $0x80, v9;
	v9 =	vand.u32 $0x80, v10;
	v6 =	vor.u32 v7, v6  }
0x179: {  	vm15 =	vgt.s32 v8, $0x1;
	v21 =	vor.u32 v9, v6;
	v6 =	vshll.u32 v11, $0x1  }
0x17a: {  	p4 =	por $0x1, $0x1;
	v25 =	vld [tilespmem:s17+$0xFFFFFFE0];
	v41 =	vand.u32 $0x7F, v11;
	v10 =	vsel vm15, $0x10000, v1;
	v38 =	vand.u32 $0xFFFFFF00, v6  }
0x17b: {  	p0 =	por $0x0, $0x0  }
0x17c: {  	s0 =	simm.s32 @!p0 $0x0  }
0x17d: {  	vm0 =	vgt.s32 v3, $0x1;
	s0 =	simm.s32 @p0 $0x1  }
0x17e: {  	v3 =	vsel vm0, $0x10000, v1;
	[smem:$0x7FA] =	sst s0  }
0x17f: {  	v6 =	vshll.u32 v25, $0x7;
	[tilespmem:v21+s2+$0x0] =	vst.idx.add.s32.msk $0xffff, v3  }
0x180: {  	v7 =	vld [tilespmem:s23+$0xFFFFFFD0];
	v3 =	vand.u32 $0x80, v6;
	v6 =	vor.u32 v41, v38  }
0x181: {  	[tilespmem:v24+s2+$0x0] =	vst.idx.add.s32.msk $0xffff, v4;
	v6 =	vor.u32 v3, v6  }
0x182: {  	s26 =	simm.s32 $0x5440;
	v8 =	vld [tilespmem:s1+$0xFFFFFFD0]  }
0x183: {  	s31 =	simm.s32 $0xA0C0;
	v9 =	vld [tilespmem:s26+$0xFFFFFFC0]  }
0x184: {  	vm14 =	vgt.s32 v25, $0x1;
	v3 =	vld [tilespmem:s31+$0xFFFFFFC0]  }
0x185: {  	v4 =	vsel vm14, $0x10000, v1;
	v13 =	vld [tilespmem:s21+$0xFFFFFFE0];
	v11 =	vshll.u32 v7, $0x1  }
0x186: {  	[tilespmem:v6+s2+$0x0] =	vst.idx.add.s32.msk $0xffff, v4;
	v4 =	vand.u32 $0x7F, v7;
	v6 =	vand.u32 $0xFFFFFF00, v11  }
0x187: {  	p0 =	sgt.s32 s5, $0x300;
	v7 =	vshll.u32 v8, $0x7;
	v6 =	vor.u32 v4, v6;
	v4 =	vld [tilespmem:s19+$0xFFFFFFF0]  }
.Ltmp9:
0x188: {  	v26 =	vand.u32 $0x80, v7;
	v24 =	vor.u32 v5, v6;
	v5 =	vshll.u32 v9, $0x1;
	(pc) =	sbr.rel @!p0 .LBB2_15-.Ltmp9, $4  }
0x189: {  	v7 =	vshll.u32 v3, $0x7;
	v6 =	vand.u32 $0x7F, v9;
	v5 =	vand.u32 $0xFFFFFF00, v5  }
0x18a: {  	vm15 =	vgt.s32 v8, $0x1;
	v7 =	vand.u32 $0x80, v7;
	v5 =	vor.u32 v6, v5  }
0x18b: {  	v11 =	vsel vm15, $0x10000, v1;
	v21 =	vor.u32 v7, v5;
	v5 =	vshll.u32 v13, $0x1  }
0x18c: {  	p5 =	por $0x1, $0x1;
	v8 =	vand.u32 $0x7F, v13;
	v6 =	vld [tilespmem:s20+$0xFFFFFFE0];
	v7 =	vand.u32 $0xFFFFFF00, v5;
	v5 =	vshll.u32 v4, $0x1  }
0x18d: {  	_ =	sdelay $0x2  }
0x18e: {  	vm0 =	vgt.s32 v3, $0x1  }
0x18f: {  	v9 =	vld [tilespmem:s17+$0xFFFFFFF0];
	v3 =	vsel vm0, $0x10000, v1;
	v13 =	vshll.u32 v6, $0x7  }
0x190: {  	[tilespmem:v21+s2+$0x0] =	vst.idx.add.s32.msk $0xffff, v3;
	v3 =	vand.u32 $0x80, v13;
	v13 =	vor.u32 v8, v7  }
0x191: {  	v14 =	vld [tilespmem:s24+$0xFFFFFFD0];
	v13 =	vor.u32 v3, v13  }
0x192: {  	v16 =	vld [tilespmem:s31+$0xFFFFFFD0]  }
0x193: {  	[tilespmem:v24+s2+$0x0] =	vst.idx.add.s32.msk $0xffff, v12;
	s9 =	simm.s32 $0x5540;
	v15 =	vand.u32 $0x7F, v4  }
0x194: {  	s14 =	simm.s32 $0xA140;
	v18 =	vand.u32 $0xFFFFFF00, v5;
	v17 =	vld [tilespmem:s9+$0xFFFFFFC0];
	vm13 =	vgt.s32 v6, $0x1;
	v12 =	vshll.u32 v9, $0x7  }
0x195: {  	v15 =	vor.u32 v15, v18;
	v18 =	vsel vm13, $0x10000, v1;
	v3 =	vld [tilespmem:s14+$0xFFFFFFC0];
	v12 =	vand.u32 $0x80, v12  }
0x196: {  	v19 =	vshll.u32 v14, $0x1;
	[tilespmem:v13+s2+$0x0] =	vst.idx.add.s32.msk $0xffff, v18;
	v18 =	vor.u32 v12, v15  }
0x197: {  	v12 =	vand.u32 $0x7F, v14;
	v13 =	vand.u32 $0xFFFFFF00, v19;
	v14 =	vshll.u32 v16, $0x7;
	v19 =	vld [tilespmem:s23+$0xFFFFFFE0]  }
0x198: {  	p0 =	sgt.s32 s5, $0x380;
	vm14 =	vgt.s32 v9, $0x1;
	v9 =	vor.u32 v12, v13;
	v22 =	vand.u32 $0x80, v14;
	v13 =	vld [tilespmem:s21+$0xFFFFFFF0]  }
.Ltmp10:
0x199: {  	v14 =	vand.u32 $0x7F, v17;
	v15 =	vor.u32 v2, v9;
	v9 =	vshll.u32 v17, $0x1;
	(pc) =	sbr.rel @!p0 .LBB2_17-.Ltmp10, $4  }
0x19a: {  	p6 =	por $0x1, $0x1;
	v12 =	vld [tilespmem:s22+$0xFFFFFFE0];
	v2 =	vsel vm14, $0x10000, v1;
	v17 =	vshll.u32 v3, $0x7;
	v9 =	vand.u32 $0xFFFFFF00, v9  }
0x19b: {  	s0 =	simm.s32 @!p6 $0x0;
	vm15 =	vgt.s32 v16, $0x1;
	v9 =	vor.u32 v14, v9;
	[tilespmem:v18+s2+$0x0] =	vst.idx.add.s32.msk $0xffff, v2;
	v2 =	vand.u32 $0x80, v17  }
0x19c: {  	s0 =	simm.s32 @p6 $0x1;
	v20 =	vsel vm15, $0x10000, v1;
	v14 =	vld [tilespmem:s19+$0x0];
	v21 =	vor.u32 v2, v9;
	v2 =	vshll.u32 v19, $0x1  }
0x19d: {  	v18 =	vand.u32 $0x7F, v19;
	v17 =	vld [tilespmem:s17+$0x0];
	v19 =	vshll.u32 v13, $0x1;
	[smem:$0x7FB] =	sst s0;
	v16 =	vand.u32 $0xFFFFFF00, v2  }
0x19e: {  	_ =	sdelay $0x2  }
0x19f: {  	v2 =	vshll.u32 v14, $0x1  }
0x1a0: {  	v9 =	vand.u32 $0x7F, v14;
	v2 =	vand.u32 $0xFFFFFF00, v2;
	v23 =	vshll.u32 v17, $0x7  }
0x1a1: {  	v23 =	vand.u32 $0x80, v23;
	v2 =	vor.u32 v9, v2  }
0x1a2: {  	vm0 =	vgt.s32 v3, $0x1;
	v2 =	vor.u32 v23, v2  }
0x1a3: {  	v3 =	vsel vm0, $0x10000, v1  }
0x1a4: {  	[tilespmem:v21+s2+$0x0] =	vst.idx.add.s32.msk $0xffff, v3  }
0x1a5: {  	v21 =	vld [tilespmem:s20+$0xFFFFFFF0];
	vm12 =	vgt.s32 v17, $0x1  }
0x1a6: {  	v9 =	vld [tilespmem:s30+$0xFFFFFFD0];
	v3 =	vsel vm12, $0x10000, v1  }
0x1a7: {  	v23 =	vshll.u32 v12, $0x7;
	[tilespmem:v2+s2+$0x0] =	vst.idx.add.s32.msk $0xffff, v3  }
0x1a8: {  	v2 =	vand.u32 $0x80, v23;
	v3 =	vor.u32 v18, v16;
	v23 =	vld [tilespmem:s19+$0x10]  }
0x1a9: {  	v29 =	vand.u32 $0x7F, v13;
	v2 =	vor.u32 v2, v3;
	v24 =	vld [tilespmem:s17+$0x10]  }
0x1aa: {  	[tilespmem:v15+s2+$0x0] =	vst.idx.add.s32.msk $0xffff, v10;
	v30 =	vand.u32 $0xFFFFFF00, v19;
	vm13 =	vgt.s32 v12, $0x1;
	v28 =	vshll.u32 v21, $0x7  }
0x1ab: {  	s29 =	simm.s32 $0x5640;
	v29 =	vor.u32 v29, v30;
	v31 =	vsel vm13, $0x10000, v1;
	v27 =	vld [tilespmem:s14+$0xFFFFFFD0];
	v28 =	vand.u32 $0x80, v28  }
0x1ac: {  	s28 =	simm.s32 $0xA1C0;
	v30 =	vld [tilespmem:s29+$0xFFFFFFC0];
	vm14 =	vgt.s32 v21, $0x1;
	v29 =	vor.u32 v28, v29;
	v3 =	vshll.u32 v9, $0x1  }
0x1ad: {  	v9 =	vand.u32 $0x7F, v9;
	v25 =	vand.u32 $0xFFFFFF00, v3;
	v3 =	vld [tilespmem:s28+$0xFFFFFFC0];
	v28 =	vshll.u32 v23, $0x1  }
0x1ae: {  	[tilespmem:v2+s2+$0x0] =	vst.idx.add.s32.msk $0xffff, v31;
	v2 =	vand.u32 $0x7F, v23;
	v23 =	vand.u32 $0xFFFFFF00, v28;
	v28 =	vshll.u32 v24, $0x7  }
0x1af: {  	v9 =	vor.u32 v9, v25;
	v31 =	vld [tilespmem:s24+$0xFFFFFFE0];
	v21 =	vand.u32 $0x80, v28;
	v2 =	vor.u32 v2, v23  }
0x1b0: {  	v26 =	vor.u32 v26, v9;
	v23 =	vshll.u32 v27, $0x7;
	v28 =	vld [tilespmem:s23+$0xFFFFFFF0];
	v25 =	vor.u32 v21, v2  }
0x1b1: {  	p0 =	sgt.s32 s5, $0x400;
	v9 =	vshll.u32 v30, $0x1;
	v2 =	vand.u32 $0x80, v23;
	v21 =	vsel vm14, $0x10000, v1;
	v23 =	vld [tilespmem:s25+$0xFFFFFFE0]  }
.Ltmp11:
0x1b2: {  	vm15 =	vgt.s32 v27, $0x1;
	v9 =	vand.u32 $0xFFFFFF00, v9;
	[tilespmem:v29+s2+$0x0] =	vst.idx.add.s32.msk $0xffff, v21;
	(pc) =	sbr.rel @!p0 .LBB2_19-.Ltmp11, $4  }
0x1b3: {  	p6 =	por $0x1, $0x1;
	vm1 =	vgt.s32 v24, $0x1;
	v24 =	vshll.u32 v3, $0x7;
	v21 =	vand.u32 $0x7F, v30;
	v27 =	vld [tilespmem:s21+$0x0]  }
0x1b4: {  	s0 =	simm.s32 @!p6 $0x0;
	v24 =	vand.u32 $0x80, v24;
	v30 =	vsel vm1, $0x10000, v1;
	v9 =	vor.u32 v21, v9;
	v29 =	vld [tilespmem:s20+$0x0]  }
0x1b5: {  	s0 =	simm.s32 @p6 $0x1;
	v32 =	vand.u32 $0x7F, v31;
	v21 =	vor.u32 v24, v9;
	v24 =	vshll.u32 v31, $0x1;
	[tilespmem:v25+s2+$0x0] =	vst.idx.add.s32.msk $0xffff, v30  }
0x1b6: {  	v9 =	vsel vm15, $0x10000, v1;
	v33 =	vshll.u32 v28, $0x1;
	v30 =	vand.u32 $0xFFFFFF00, v24;
	v34 =	vld [tilespmem:s19+$0x20];
	[smem:$0x7FC] =	sst s0  }
0x1b7: {  	_ = 	snop  }
0x1b8: {  	vm0 =	vgt.s32 v3, $0x1  }
0x1b9: {  	[dreg:$0x8] =	wrdreg s18;
	v3 =	vsel vm0, $0x10000, v1;
	v25 =	vshll.u32 v27, $0x1  }
0x1ba: {  	v24 =	vld [tilespmem:s17+$0x20];
	v31 =	vand.u32 $0x7F, v27;
	v25 =	vand.u32 $0xFFFFFF00, v25;
	v35 =	vshll.u32 v29, $0x7  }
0x1bb: {  	[tilespmem:v21+s2+$0x0] =	vst.idx.add.s32.msk $0xffff, v3;
	v3 =	vand.u32 $0x80, v35;
	v21 =	vor.u32 v31, v25  }
0x1bc: {  	v25 =	vld [tilespmem:s26+$0xFFFFFFD0];
	v21 =	vor.u32 v3, v21  }
0x1bd: {  	v50 =	vor.u32 v32, v30;
	v54 =	vand.u32 $0xFFFFFF00, v33;
	v49 =	vld [tilespmem:s22+$0xFFFFFFF0]  }
0x1be: {  	s18 =	simm.s32 $0x5740;
	vm14 =	vgt.s32 v23, $0x1;
	[tilespmem:v26+s2+$0x0] =	vst.idx.add.s32.msk $0xffff, v11;
	vm12 =	vgt.s32 v29, $0x1;
	v31 =	vshll.u32 v23, $0x7  }
0x1bf: {  	v53 =	vld [tilespmem:s18+$0xFFFFFFC0];
	v40 =	vsel vm12, $0x10000, v1;
	v3 =	vshll.u32 v34, $0x1;
	v31 =	vand.u32 $0x80, v31  }
0x1c0: {  	v45 =	vld [tilespmem:s30+$0xFFFFFFE0];
	v36 =	vand.u32 $0x7F, v34;
	v37 =	vand.u32 $0xFFFFFF00, v3;
	v31 =	vor.u32 v31, v50  }
0x1c1: {  	v38 =	vshll.u32 v24, $0x7;
	v36 =	vor.u32 v36, v37;
	v51 =	vshll.u32 v25, $0x1;
	[tilespmem:v21+s2+$0x0] =	vst.idx.add.s32.msk $0xffff, v40  }
0x1c2: {  	v38 =	vand.u32 $0x80, v38;
	v21 =	vand.u32 $0x7F, v25;
	v25 =	vand.u32 $0xFFFFFF00, v51;
	v52 =	vld [tilespmem:s21+$0x10]  }
0x1c3: {  	v55 =	vsel vm14, $0x10000, v1;
	v36 =	vor.u32 v38, v36;
	v21 =	vor.u32 v21, v25;
	v25 =	vld [tilespmem:s20+$0x10]  }
0x1c4: {  	s16 =	simm.s32 $0xA240;
	v39 =	vld [tilespmem:s28+$0xFFFFFFD0];
	v35 =	vshll.u32 v49, $0x7;
	vm1 =	vgt.s32 v24, $0x1;
	v24 =	vand.u32 $0x7F, v28  }
0x1c5: {  	v3 =	vld [tilespmem:s16+$0xFFFFFFC0];
	vm13 =	vgt.s32 v49, $0x1;
	v24 =	vor.u32 v24, v54;
	v35 =	vand.u32 $0x80, v35  }
0x1c6: {  	v41 =	vsel vm1, $0x10000, v1;
	v57 =	vsel vm13, $0x10000, v1;
	v35 =	vor.u32 v35, v24;
	[tilespmem:v31+s2+$0x0] =	vst.idx.add.s32.msk $0xffff, v55  }
0x1c7: {  	v63 =	vshll.u32 v45, $0x1;
	v40 =	vld [tilespmem:s24+$0xFFFFFFF0];
	v56 =	vand.u32 $0x7F, v52;
	v24 =	vshll.u32 v52, $0x1  }
0x1c8: {  	[tilespmem:v36+s2+$0x0] =	vst.idx.add.s32.msk $0xffff, v41;
	vm15 =	vgt.s32 v25, $0x1;
	v25 =	vshll.u32 v25, $0x7;
	v37 =	vand.u32 $0xFFFFFF00, v24  }
0x1c9: {  	p6 =	por $0x1, $0x1;
	v41 =	vld [tilespmem:s19+$0x30];
	v24 =	vor.u32 v22, v21;
	v21 =	vand.u32 $0x80, v25;
	v25 =	vor.u32 v56, v37  }
0x1ca: {  	s0 =	simm.s32 @!p6 $0x0;
	v42 =	vshll.u32 v39, $0x7;
	v38 =	vshll.u32 v53, $0x1;
	v31 =	vld [tilespmem:s17+$0x30];
	v58 =	vor.u32 v21, v25  }
0x1cb: {  	s15 =	simm.s32 $0x480;
	p0 =	sgt.s32 s5, $0x480;
	s0 =	simm.s32 @p6 $0x1;
	vm2 =	vgt.s32 v39, $0x1;
	v48 =	vand.u32 $0x80, v42;
	v38 =	vand.u32 $0xFFFFFF00, v38;
	[tilespmem:v35+s2+$0x0] =	vst.idx.add.s32.msk $0xffff, v57  }
.Ltmp12:
0x1cc: {  	s8 =	simm.s32 $0x9EC0;
	v49 =	vsel vm2, $0x10000, v1;
	v59 =	vshll.u32 v3, $0x7;
	v21 =	vand.u32 $0x7F, v53;
	v25 =	vld [tilespmem:s1+$0xFFFFFFE0];
	[smem:$0x7FA] =	sst s0;
	(pc) =	sbr.rel @!p0 .LBB2_21-.Ltmp12, $4  }
0x1cd: {  	s31 =	simm.s32 $0x5740;
	s13 =	simm.s32 $0x5140;
	s4 =	simm.s32 $0x9F40;
	v61 =	vand.u32 $0x80, v59;
	v43 =	vsel vm15, $0x10000, v1;
	v21 =	vor.u32 v21, v38;
	v42 =	vld [tilespmem:s23+$0x0]  }
0x1ce: {  	s11 =	simm.s32 $0x5040;
	s7 =	simm.s32 $0x5240;
	s12 =	simm.s32 $0x5340;
	v46 =	vshll.u32 v40, $0x1;
	v36 =	vand.u32 $0x7F, v41;
	v44 =	vld [tilespmem:s22+$0x0];
	v21 =	vor.u32 v61, v21  }
0x1cf: {  	s6 =	simm.s32 $0x5440;
	s3 =	simm.s32 $0xA040;
	s10 =	simm.s32 $0xA0C0;
	v60 =	vshll.u32 v41, $0x1;
	v62 =	vshll.u32 v31, $0x7;
	v38 =	vand.u32 $0xFFFFFF00, v63;
	[tilespmem:v58+s2+$0x0] =	vst.idx.add.s32.msk $0xffff, v43  }
0x1d0: {  	s26 =	simm.s32 $0xA240;
	v35 =	vmovc v20;
	s0 =	simm.s32 $0x9FC0;
	v41 =	vand.u32 $0x7F, v45;
	v39 =	vand.u32 $0xFFFFFF00, v60;
	v43 =	vand.u32 $0x80, v62;
	v45 =	vld [tilespmem:s21+$0x20]  }
.LBB2_22:
0x1d1: {  	s15 =	sadd.s32 $0x80, s15;
	vm0 =	vgt.s32 v3, $0x1;
	v37 =	vld [tilespmem:s8+$0x20];
	vm1 =	vgt.s32 v31, $0x1;
	v3 =	vor.u32 v36, v39  }
0x1d2: {  	v36 =	vshll.u32 v25, $0x7;
	p0 =	slt.s32 s15, s5;
	v31 =	vsel vm0, $0x10000, v1;
	v39 =	vshll.u32 v42, $0x1  }
0x1d3: {  	[tilespmem:v21+s2+$0x0] =	vst.idx.add.s32.msk $0xffff, v31;
	v21 =	vand.u32 $0x7F, v42;
	v31 =	vand.u32 $0xFFFFFF00, v39;
	v39 =	vshll.u32 v44, $0x7  }
0x1d4: {  	vm0 =	vgt.s32 v44, $0x1;
	v42 =	vld [tilespmem:s9+$0xFFFFFFD0];
	v39 =	vand.u32 $0x80, v39;
	v21 =	vor.u32 v21, v31  }
0x1d5: {  	[tilespmem:v24+s2+$0x0] =	vst.idx.add.s32.msk $0xffff, v35;
	v21 =	vor.u32 v39, v21;
	v24 =	vand.u32 $0x7F, v45;
	v31 =	vshll.u32 v45, $0x1;
	v35 =	vmovc v9  }
0x1d6: {  	s26 =	sadd.s32 $0x80, s26;
	v43 =	vor.u32 v43, v3;
	v9 =	vmovc v49;
	v39 =	vld [tilespmem:s0+$0xFFFFFFF0];
	v31 =	vand.u32 $0xFFFFFF00, v31;
	v44 =	vshll.u32 v37, $0x7  }
0x1d7: {  	v38 =	vor.u32 v41, v38;
	v36 =	vand.u32 $0x80, v36;
	v3 =	vld [tilespmem:s26+$0xFFFFFFC0];
	v41 =	vand.u32 $0x80, v44  }
0x1d8: {  	s31 =	sadd.s32 $0x100, s31;
	v36 =	vor.u32 v36, v38;
	v24 =	vor.u32 v24, v31;
	v44 =	vld [tilespmem:s16+$0xFFFFFFD0]  }
0x1d9: {  	v45 =	vsel vm0, $0x10000, v1;
	v24 =	vor.u32 v41, v24;
	v38 =	vld [tilespmem:s31+$0xFFFFFFC0];
	v31 =	vshll.u32 v42, $0x1  }
0x1da: {  	v41 =	vand.u32 $0x7F, v42;
	v31 =	vand.u32 $0xFFFFFF00, v31;
	[tilespmem:v21+s2+$0x0] =	vst.idx.add.s32.msk $0xffff, v45  }
0x1db: {  	v42 =	vsel vm1, $0x10000, v1;
	vm0 =	vgt.s32 v39, $0x1;
	v21 =	vshll.u32 v39, $0x7;
	v39 =	vld [tilespmem:s13+$0x10]  }
0x1dc: {  	vm1 =	vgt.s32 v37, $0x1;
	v41 =	vor.u32 v41, v31;
	v31 =	vld [tilespmem:s4+$0x10]  }
0x1dd: {  	v37 =	vand.u32 $0x7F, v40;
	v40 =	vand.u32 $0xFFFFFF00, v46;
	v45 =	vsel vm1, $0x10000, v1;
	[tilespmem:v43+s2+$0x0] =	vst.idx.add.s32.msk $0xffff, v42  }
0x1de: {  	vm1 =	vgt.s32 v25, $0x1;
	v25 =	vor.u32 v37, v40;
	v42 =	vshll.u32 v44, $0x7;
	[tilespmem:v24+s2+$0x0] =	vst.idx.add.s32.msk $0xffff, v45  }
0x1df: {  	v21 =	vand.u32 $0x80, v21;
	v37 =	vand.u32 $0x80, v42;
	v24 =	vsel vm1, $0x10000, v1;
	v42 =	vld [tilespmem:s11+$0x30];
	s11 =	smov.u32 s13;
	s13 =	smov.u32 s7;
	s7 =	smov.u32 s12  }
0x1e0: {  	v21 =	vor.u32 v21, v25;
	s12 =	smov.u32 s6;
	s6 =	smov.u32 s9;
	s9 =	smov.u32 s29;
	[tilespmem:v36+s2+$0x0] =	vst.idx.add.s32.msk $0xffff, v24;
	v25 =	vand.u32 $0x7F, v39;
	v24 =	vshll.u32 v39, $0x1  }
0x1e1: {  	vm1 =	vgt.s32 v31, $0x1;
	v36 =	vand.u32 $0xFFFFFF00, v24;
	v39 =	vshll.u32 v31, $0x7;
	v31 =	vld [tilespmem:s8+$0x30];
	s8 =	smov.u32 s4;
	s4 =	smov.u32 s0;
	s0 =	smov.u32 s3  }
0x1e2: {  	v24 =	vor.u32 v2, v41;
	v2 =	vmovc v48;
	v48 =	vmovc v37;
	s3 =	smov.u32 s10;
	s10 =	smov.u32 s14;
	s14 =	smov.u32 s28;
	v41 =	vld [tilespmem:s12+$0xFFFFFFE0];
	v39 =	vand.u32 $0x80, v39;
	v25 =	vor.u32 v25, v36  }
0x1e3: {  	vm2 =	vgt.s32 v44, $0x1;
	s29 =	smov.u32 s18;
	v37 =	vsel vm0, $0x10000, v1;
	s28 =	smov.u32 s16;
	s16 =	smov.u32 s26;
	v40 =	vld [tilespmem:s7+$0xFFFFFFF0];
	v39 =	vor.u32 v39, v25  }
0x1e4: {  	v43 =	vand.u32 $0x7F, v38;
	v38 =	vshll.u32 v38, $0x1;
	s18 =	smov.u32 s31;
	v25 =	vld [tilespmem:s3+$0xFFFFFFE0];
	v36 =	vand.u32 $0x7F, v42  }
.Ltmp13:
0x1e5: {  	v44 =	vshll.u32 v3, $0x7;
	v38 =	vand.u32 $0xFFFFFF00, v38;
	[tilespmem:v21+s2+$0x0] =	vst.idx.add.s32.msk $0xffff, v37;
	v37 =	vshll.u32 v42, $0x1;
	(pc) =	sbr.rel @p0 .LBB2_22-.Ltmp13, $4  }
0x1e6: {  	v38 =	vor.u32 v43, v38;
	v21 =	vand.u32 $0x80, v44;
	v42 =	vld [tilespmem:s13+$0x0];
	v43 =	vshll.u32 v31, $0x7  }
0x1e7: {  	v45 =	vsel vm1, $0x10000, v1;
	v21 =	vor.u32 v21, v38;
	v38 =	vshll.u32 v41, $0x1;
	v44 =	vld [tilespmem:s4+$0x0]  }
0x1e8: {  	v49 =	vsel vm2, $0x10000, v1;
	v43 =	vand.u32 $0x80, v43;
	v38 =	vand.u32 $0xFFFFFF00, v38;
	[tilespmem:v39+s2+$0x0] =	vst.idx.add.s32.msk $0xffff, v45  }
0x1e9: {  	v41 =	vand.u32 $0x7F, v41;
	v46 =	vshll.u32 v40, $0x1;
	v39 =	vand.u32 $0xFFFFFF00, v37;
	v45 =	vld [tilespmem:s11+$0x20]  }
.Ltmp14:
0x1ea: {  	(pc) =	sbr.rel .LBB2_24-.Ltmp14, $4  }
0x1eb: {  	_ = 	snop  }
0x1ec: {  	s15 =	smov.u32 s9  }
0x1ed: {  	[dreg:$0x9] =	wrdreg s14;
	s14 =	smov.u32 s28;
	s9 =	smov.u32 s18  }
0x1ee: {  	v37 =	vmovc v9;
	v47 =	vmov v2;
	v9 =	vmov v49;
	v2 =	vmov v48;
	s18 =	rddreg [dreg:$0x8];
	s26 =	simm.s32 $0x5440;
	s31 =	simm.s32 $0xA0C0  }
.LBB2_7:
.Ltmp15:
0x1ef: {  	(pc) =	sbr.rel .LBB2_24-.Ltmp15, $4  }
0x1f0: {  	p0 =	por $0x0, $0x0  }
0x1f1: {  	s0 =	simm.s32 @!p0 $0x0  }
0x1f2: {  	s16 =	simm.s32 $0x9EC0;
	s29 =	simm.s32 $0x4F40;
	s0 =	simm.s32 @p0 $0x1  }
0x1f3: {  	s14 =	simm.s32 $0x9E40;
	s9 =	simm.s32 $0x5040;
	[smem:$0x7FA] =	sst s0  }
.LBB2_9:
.Ltmp16:
0x1f4: {  	(pc) =	sbr.rel .LBB2_24-.Ltmp16, $4  }
0x1f5: {  	p0 =	por $0x0, $0x0;
	s15 =	simm.s32 $0x4F40  }
0x1f6: {  	s16 =	simm.s32 $0x9F40;
	s1 =	simm.s32 $0x9E40;
	s0 =	simm.s32 @!p0 $0x0  }
0x1f7: {  	s29 =	simm.s32 $0x5040;
	[dreg:$0x9] =	wrdreg s1;
	s0 =	simm.s32 @p0 $0x1  }
0x1f8: {  	v37 =	vmovc v9;
	v47 =	vmov v2;
	v9 =	vmov v4;
	v2 =	vmov v6;
	s14 =	simm.s32 $0x9EC0;
	s9 =	simm.s32 $0x5140;
	[smem:$0x7FA] =	sst s0  }
.LBB2_11:
.Ltmp17:
0x1f9: {  	p0 =	por $0x0, $0x0;
	(pc) =	sbr.rel .LBB2_24-.Ltmp17, $4  }
0x1fa: {  	s15 =	simm.s32 $0x5040;
	s16 =	simm.s32 $0x9FC0;
	s6 =	simm.s32 $0x4F40  }
0x1fb: {  	s29 =	simm.s32 $0x5140;
	s1 =	simm.s32 $0x9EC0;
	s0 =	simm.s32 @!p0 $0x0  }
0x1fc: {  	s10 =	simm.s32 $0x9E40;
	[dreg:$0x9] =	wrdreg s1;
	s0 =	simm.s32 @p0 $0x1  }
0x1fd: {  	v35 =	vmovc v9;
	v37 =	vmovc v4;
	v9 =	vmov v12;
	v47 =	vmov v6;
	v2 =	vmov v5;
	s14 =	simm.s32 $0x9F40;
	s9 =	simm.s32 $0x5240;
	[smem:$0x7FA] =	sst s0  }
.LBB2_13:
0x1fe: {  	p0 =	por $0x0, $0x0  }
.Ltmp18:
0x1ff: {  	s15 =	simm.s32 $0x5140;
	s16 =	simm.s32 $0xA040;
	(pc) =	sbr.rel .LBB2_24-.Ltmp18, $4  }
0x200: {  	s12 =	simm.s32 $0x4F40;
	s6 =	simm.s32 $0x5040;
	s29 =	simm.s32 $0x5240  }
0x201: {  	s3 =	simm.s32 $0x9E40;
	s1 =	simm.s32 $0x9F40;
	s0 =	simm.s32 @!p0 $0x0  }
0x202: {  	s10 =	simm.s32 $0x9EC0;
	[dreg:$0x9] =	wrdreg s1;
	s0 =	simm.s32 @p0 $0x1  }
0x203: {  	v9 =	vmovc v10;
	v35 =	vmov v4;
	v37 =	vmov v12;
	v47 =	vmov v5;
	s14 =	simm.s32 $0x9FC0;
	s9 =	simm.s32 $0x5340;
	[smem:$0x7FA] =	sst s0  }
.LBB2_15:
.Ltmp19:
0x204: {  	s15 =	simm.s32 $0x5240;
	(pc) =	sbr.rel .LBB2_24-.Ltmp19, $4  }
0x205: {  	s0 =	simm.s32 $0x9E40;
	s16 =	simm.s32 $0xA0C0;
	s7 =	simm.s32 $0x4F40  }
0x206: {  	s12 =	simm.s32 $0x5040;
	s6 =	simm.s32 $0x5140;
	s29 =	simm.s32 $0x5340  }
0x207: {  	v37 =	vmovc v10;
	v9 =	vmovc v11;
	s3 =	simm.s32 $0x9EC0;
	v47 =	vmov v2;
	s10 =	simm.s32 $0x9F40;
	v35 =	vmov v12;
	v38 =	vmov v7;
	s1 =	simm.s32 $0x9FC0  }
0x208: {  	v41 =	vmovc v8;
	v40 =	vmovc v4;
	v46 =	vmov v5;
	v2 =	vmov v26;
	s14 =	simm.s32 $0xA040;
	s9 =	simm.s32 $0x5440;
	[dreg:$0x9] =	wrdreg s1;
	v25 =	vmov v6  }
.LBB2_17:
.Ltmp20:
0x209: {  	s15 =	simm.s32 $0x5340;
	s0 =	simm.s32 $0x9EC0;
	(pc) =	sbr.rel .LBB2_24-.Ltmp20, $4  }
0x20a: {  	s16 =	simm.s32 $0xA140;
	s13 =	simm.s32 $0x4F40;
	s4 =	simm.s32 $0x9E40  }
0x20b: {  	s7 =	simm.s32 $0x5040;
	s12 =	simm.s32 $0x5140;
	v37 =	vmov v11;
	v9 =	vmov v20;
	s6 =	simm.s32 $0x5240;
	v2 =	vmov v22  }
0x20c: {  	s29 =	simm.s32 $0x5440;
	s3 =	simm.s32 $0x9F40;
	v35 =	vmovc v10;
	v24 =	vmovc v15;
	v38 =	vmov v16;
	v41 =	vmov v18;
	v40 =	vmov v13;
	s1 =	simm.s32 $0xA040  }
0x20d: {  	v46 =	vmovc v19;
	v47 =	vmovc v26;
	s10 =	simm.s32 $0x9FC0;
	s14 =	simm.s32 $0xA0C0;
	v25 =	vmov v12;
	[dreg:$0x9] =	wrdreg s1;
	v42 =	vmov v14;
	v44 =	vmov v17  }
.LBB2_19:
0x20e: {  	s8 =	simm.s32 $0x9E40;
	s15 =	simm.s32 $0x5440  }
.Ltmp21:
0x20f: {  	s0 =	simm.s32 $0x9F40;
	s16 =	simm.s32 $0xA1C0;
	(pc) =	sbr.rel .LBB2_24-.Ltmp21, $4  }
0x210: {  	s13 =	simm.s32 $0x5040;
	s4 =	simm.s32 $0x9EC0;
	s11 =	simm.s32 $0x4F40  }
0x211: {  	s7 =	simm.s32 $0x5140;
	s12 =	simm.s32 $0x5240;
	s6 =	simm.s32 $0x5340;
	v25 =	vmov v23;
	v35 =	vmov v11  }
0x212: {  	s29 =	simm.s32 $0x5540;
	s3 =	simm.s32 $0x9FC0;
	v24 =	vmovc v26;
	v37 =	vmovc v20;
	v38 =	vmov v30;
	v41 =	vmov v32;
	v40 =	vmov v28;
	s9 =	simm.s32 $0xA0C0  }
0x213: {  	v46 =	vmovc v33;
	v47 =	vmovc v22;
	s10 =	simm.s32 $0xA040;
	v42 =	vmov v27;
	[dreg:$0x9] =	wrdreg s9;
	s9 =	simm.s32 $0x5640;
	v44 =	vmov v29;
	v45 =	vmov v34  }
.LBB2_21:
0x214: {  	s8 =	simm.s32 $0x9EC0  }
0x215: {  	s15 =	simm.s32 $0x5540;
	s0 =	simm.s32 $0x9FC0;
	s13 =	simm.s32 $0x5140  }
.Ltmp22:
0x216: {  	s4 =	simm.s32 $0x9F40;
	s11 =	simm.s32 $0x5040;
	(pc) =	sbr.rel .LBB2_24-.Ltmp22, $4  }
0x217: {  	s7 =	simm.s32 $0x5240;
	s12 =	simm.s32 $0x5340;
	s6 =	simm.s32 $0x5440  }
0x218: {  	s3 =	simm.s32 $0xA040;
	s10 =	simm.s32 $0xA0C0;
	s9 =	simm.s32 $0xA140  }
0x219: {  	s14 =	simm.s32 $0xA1C0;
	s18 =	rddreg [dreg:$0x8];
	s26 =	simm.s32 $0x5440  }
0x21a: {  	v37 =	vmovc v9;
	v47 =	vmovc v2;
	v35 =	vmov v20;
	v9 =	vmov v49;
	v2 =	vmov v48;
	s31 =	simm.s32 $0xA0C0;
	[dreg:$0x9] =	wrdreg s9;
	s9 =	simm.s32 $0x5740  }
.LBB2_26:
0x21b: {  	_ =	sfence.sel $0x180000  }
0x21c: {  	[bflag:$0x0] =	sbarrier.arrive $0xFFFF  }
0x21d: {  	_ =	strace $0x90000047  }
0x21e: {  	s0 =	stileid.u32;
	[bflag:$0x2] =	sbarrier.arrive $0xFFFF  }
0x21f: {  	p0 =	sne.s32 s0, $0x0;
	s0 =	rddreg [dreg:$0x3]  }
0x220: {  	s0 =	sadd.s32 @!p0 $0x100000, s0  }
0x221: {  	[sflag:s0] =	ssyncadd.tile.s32 @!p0 $0x1;
	_ =	shalt  }
.Lfunc_end2:
_tile_overlayer_lowered:
.L_overlay_start_2:
0x222: {  	(tag) =	ssettag $0x2  }
0x223: {  	s0 =	rddreg [dreg:$0x0];
	s2 =	stileid.u32  }
0x224: {  	s1 =	rddreg [dreg:$0x1];
	p0 =	sne.s32 s2, $0x0  }
0x225: {  	s3 =	rddreg [dreg:$0x2];
	[bflag:$0x3] =	sbarrier.arrive $0xFFFF;
	s2 =	simm.s32 @!p0 $0x1C03  }
0x226: {  	[timem:s3], [sflag:s2] =	dma.local @!p0 [hbm:s0], s1  }
0x227: {  	s0 =	simm.s32 @!p0 $0x3  }
0x228: {  	_ =	swait.ge @!p0 [sflag:s0], s1  }
0x229: {  	s1 =	ssub.s32 @!p0 $0x0, s1;
	[sflag:s0] =	ssyncset.done @!p0 $0x0  }
0x22a: {  	[sflag:s0] =	ssyncadd.s32 @!p0 s1  }
0x22b: {  	[bflag:$0x3] =	sbarrier.arrive $0xFFFF  }
0x22c: {  	_ =	shalt  }

</sc_bundles>
